<compile_context>
chip_gen: v7x
topology: tpu7x:2x2x1
jax: 0.10.2.dev20260603
libtpu: 0.0.44.dev20260713+nightly
codegen_flags: <defaults>
</compile_context>

<pallas_src>
import functools

import jax
import jax.numpy as jnp
from jax import lax
from jax.experimental import pallas as pl
from jax.experimental.pallas import tpu as pltpu
from jax.experimental.pallas import tpu_sc as plsc

B, L, D = 1024, 200, 128
N = B * L
NC, NS, LANES = 2, 16, 16
NW = NC * NS
TOK_PER_W = N // NW
T = 128
CHUNKS = TOK_PER_W // T
DC = D // LANES


def _build_comb_table(atom_table, chiral_table, b_coord2d):

  def body(at_ref, ct_ref, b_ref, out_ref):
    cb = ct_ref[...] + b_ref[...]
    out_ref[...] = at_ref[...][:, None, :] + cb[None, :, :]

  return pl.pallas_call(
      body,
      out_shape=jax.ShapeDtypeStruct((1000, 4, D), jnp.float32),
  )(atom_table, chiral_table, b_coord2d)


_mesh = plsc.VectorSubcoreMesh(core_axis_name="c", subcore_axis_name="s")


@functools.partial(
    pl.kernel,
    out_type=jax.ShapeDtypeStruct((N, D), jnp.float32),
    mesh=_mesh,
    scratch_types=[
        pltpu.VMEM((T,), jnp.int32),
        pltpu.VMEM((T,), jnp.int32),
        pltpu.VMEM((T * 3 + LANES,), jnp.float32),
        pltpu.VMEM((T, D), jnp.float32),
        pltpu.VMEM((3 * D,), jnp.float32),
        pltpu.SemaphoreType.DMA,
    ],
)
def _sc_embed(aidx_hbm, cidx_hbm, coords_hbm, comb_hbm, w_hbm, out_hbm,
              idx_v, cidx_v, coords_v, rows_v, w_v, sem):
  wid = lax.axis_index("s") * NC + lax.axis_index("c")
  base_w = wid * TOK_PER_W

  pltpu.sync_copy(w_hbm, w_v)
  w_chunks = [[w_v[pl.ds(r * D + d * LANES, LANES)] for d in range(DC)]
              for r in range(3)]

  def chunk_body(g, carry):
    base = base_w + g * T
    pltpu.sync_copy(aidx_hbm.at[pl.ds(base, T)], idx_v)
    pltpu.sync_copy(cidx_hbm.at[pl.ds(base, T)], cidx_v)
    pltpu.sync_copy(coords_hbm.at[pl.ds(base * 3, T * 3)],
                    coords_v.at[pl.ds(0, T * 3)])
    for i in range(T // LANES):
      s = pl.ds(i * LANES, LANES)
      idx_v[s] = idx_v[s] * 4 + cidx_v[s]
    pltpu.async_copy(comb_hbm.at[idx_v], rows_v, sem).wait()

    def token_body(t, c):
      xyz = coords_v[pl.ds(3 * t, LANES)]
      x = xyz[0]
      y = xyz[1]
      z = xyz[2]
      for d in range(DC):
        s = pl.ds(d * LANES, LANES)
        proj = x * w_chunks[0][d] + y * w_chunks[1][d] + z * w_chunks[2][d]
        rows_v[t, s] = rows_v[t, s] + proj
      return c

    lax.fori_loop(0, T, token_body, 0)
    pltpu.sync_copy(rows_v, out_hbm.at[pl.ds(base, T)])
    return carry

  lax.fori_loop(0, CHUNKS, chunk_body, 0)


def kernel(atom_types, chirals, coordinates, atom_table, chiral_table,
           W_coord, b_coord):
  comb = _build_comb_table(atom_table, chiral_table,
                           jnp.reshape(b_coord, (1, D)))
  comb = jnp.reshape(comb, (4000, D))
  aidx = jnp.reshape(atom_types, (N,)).astype(jnp.int32)
  cidx = jnp.reshape(chirals, (N,)).astype(jnp.int32)
  coords = jnp.reshape(coordinates, (N * 3,))
  w_flat = jnp.reshape(W_coord, (3 * D,))
  out = _sc_embed(aidx, cidx, coords, comb, w_flat)
  return jnp.reshape(out, (B, L, D))

# --- scband reference (transcript-rebuilt; emitter-appended) ---
"""Pipeline reference for scband-atom-embedding-47579647705284 (READ-ONLY COPY).

The authoritative reference and input builder live on the scoring server;
editing this copy changes nothing except your own understanding.
"""

import jax, jax.numpy as jnp
import numpy as np

B, L, D = 1024, 200, 128
ATOM_VOCAB, CHIRAL_VOCAB = 1000, 4

def setup_inputs(seed: int = 0) -> dict:
    key = jax.random.key(seed)
    k1, k2, k3, k4, k5, k6 = jax.random.split(key, 6)
    atom_types = jax.random.randint(k1, (B, L), 0, ATOM_VOCAB, dtype=jnp.int64 if jax.config.jax_enable_x64 else jnp.int32)
    chirals = jax.random.randint(k2, (B, L), 0, CHIRAL_VOCAB, dtype=jnp.int64 if jax.config.jax_enable_x64 else jnp.int32)
    coordinates = jax.random.normal(k3, (B, L, 3), dtype=jnp.float32)
    # learned parameters (nn.Embedding weights, padding_idx=0 row zeroed; nn.Linear weight/bias)
    atom_table = jax.random.normal(k4, (ATOM_VOCAB, D), dtype=jnp.float32)
    atom_table = atom_table.at[0].set(0.0)  # padding_idx=0
    chiral_table = jax.random.normal(k5, (CHIRAL_VOCAB, D), dtype=jnp.float32)
    chiral_table = chiral_table.at[0].set(0.0)  # padding_idx=0
    W_coord = jax.random.normal(k6, (3, D), dtype=jnp.float32) * (1.0 / np.sqrt(3.0))
    b_coord = jnp.zeros((D,), dtype=jnp.float32)
    return {
        "atom_types": atom_types,
        "chirals": chirals,
        "coordinates": coordinates,
        "atom_table": atom_table,
        "chiral_table": chiral_table,
        "W_coord": W_coord,
        "b_coord": b_coord,
    }

def reference(atom_types, chirals, coordinates, atom_table, chiral_table, W_coord, b_coord):
    # nn.Embedding lookups -> gathers
    a = jnp.take(atom_table, atom_types, axis=0)        # [B, L, D]
    c = jnp.take(chiral_table, chirals, axis=0)         # [B, L, D]
    # nn.Linear(3, D) on per-atom coordinates
    co = coordinates @ W_coord + b_coord                # [B, L, D]
    return a + c + co

if __name__ == "__main__":
    import jax
    _d = setup_inputs()
    print(jax.jit(kernel)(*tuple(_d.values())))

</pallas_src>

<mosaic_0001>
#map = affine_map<(d0, d1) -> (0)>
#map1 = affine_map<(d0, d1) -> (0, 0)>
module attributes {stable_mosaic.version = 14 : i64} {
  func.func @_sc_embed(%arg0: i32, %arg1: i32, %arg2: memref<204800xi32, #tpu.memory_space<hbm>>, %arg3: memref<204800xi32, #tpu.memory_space<hbm>>, %arg4: memref<614400xf32, #tpu.memory_space<hbm>>, %arg5: memref<4000x128xf32, #tpu.memory_space<hbm>>, %arg6: memref<384xf32, #tpu.memory_space<hbm>>, %arg7: memref<204800x128xf32, #tpu.memory_space<hbm>>, %arg8: memref<128xi32, #tpu.memory_space<vmem>>, %arg9: memref<128xi32, #tpu.memory_space<vmem>>, %arg10: memref<400xf32, #tpu.memory_space<vmem>>, %arg11: memref<128x128xf32, #tpu.memory_space<vmem>>, %arg12: memref<384xf32, #tpu.memory_space<vmem>>, %arg13: memref<!tpu.dma_semaphore, #tpu.memory_space<semaphore_mem>>) attributes {dimension_semantics = [#tpu.dimension_semantics<core_parallel>, #tpu.dimension_semantics<subcore_parallel>], iteration_bounds = array<i64: 2, 16>, scalar_prefetch = 0 : i64, scratch_operands = 6 : i64, tpu.core_type = #tpu.core_type<sc_vector_subcore>, window_params = [{transform_indices = #map}, {transform_indices = #map}, {transform_indices = #map}, {transform_indices = #map1}, {transform_indices = #map}, {transform_indices = #map1}]} {
    %mul3A = arith.constant 2 : i32
    %mul3A_0 = arith.muli %arg1, %mul3A : i32
    %add3A = arith.addi %mul3A_0, %arg0 : i32
    %mul3A_1 = arith.constant 6400 : i32
    %mul3A_2 = arith.muli %add3A, %mul3A_1 : i32
    "tpu.region"() ({
      %run_scoped3A = tpu.sem_alloc : memref<!tpu.dma_semaphore, #tpu.memory_space<semaphore_mem>>
      tpu.enqueue_dma source(%arg6 : memref<384xf32, #tpu.memory_space<hbm>>) target(%arg12 : memref<384xf32, #tpu.memory_space<vmem>>) target_semaphore(%run_scoped3A : memref<!tpu.dma_semaphore, #tpu.memory_space<semaphore_mem>>)
      tpu.wait_dma2 semaphore(%run_scoped3A : memref<!tpu.dma_semaphore, #tpu.memory_space<semaphore_mem>>) src(%arg6 : memref<384xf32, #tpu.memory_space<hbm>>) dst(%arg12 : memref<384xf32, #tpu.memory_space<vmem>>)
      tpu.yield
    }) : () -> ()
    %get3A = arith.constant 0 : index
    %get3A_3 = tpu.vector_load %arg12[%get3A] {strides = array<i32>} : memref<384xf32, #tpu.memory_space<vmem>>, vector<16xf32>,
    %get3A_4 = vector.shape_cast %get3A_3 : vector<16xf32> to vector<16xf32>
    %get3A_5 = arith.constant 16 : index
    %get3A_6 = tpu.vector_load %arg12[%get3A_5] {strides = array<i32>} : memref<384xf32, #tpu.memory_space<vmem>>, vector<16xf32>,
    %get3A_7 = vector.shape_cast %get3A_6 : vector<16xf32> to vector<16xf32>
    %get3A_8 = arith.constant 32 : index
    %get3A_9 = tpu.vector_load %arg12[%get3A_8] {strides = array<i32>} : memref<384xf32, #tpu.memory_space<vmem>>, vector<16xf32>,
    %get3A_10 = vector.shape_cast %get3A_9 : vector<16xf32> to vector<16xf32>
    %get3A_11 = arith.constant 48 : index
    %get3A_12 = tpu.vector_load %arg12[%get3A_11] {strides = array<i32>} : memref<384xf32, #tpu.memory_space<vmem>>, vector<16xf32>,
    %get3A_13 = vector.shape_cast %get3A_12 : vector<16xf32> to vector<16xf32>
    %get3A_14 = arith.constant 64 : index
    %get3A_15 = tpu.vector_load %arg12[%get3A_14] {strides = array<i32>} : memref<384xf32, #tpu.memory_space<vmem>>, vector<16xf32>,
    %get3A_16 = vector.shape_cast %get3A_15 : vector<16xf32> to vector<16xf32>
    %get3A_17 = arith.constant 80 : index
    %get3A_18 = tpu.vector_load %arg12[%get3A_17] {strides = array<i32>} : memref<384xf32, #tpu.memory_space<vmem>>, vector<16xf32>,
    %get3A_19 = vector.shape_cast %get3A_18 : vector<16xf32> to vector<16xf32>
    %get3A_20 = arith.constant 96 : index
    %get3A_21 = tpu.vector_load %arg12[%get3A_20] {strides = array<i32>} : memref<384xf32, #tpu.memory_space<vmem>>, vector<16xf32>,
    %get3A_22 = vector.shape_cast %get3A_21 : vector<16xf32> to vector<16xf32>
    %get3A_23 = arith.constant 112 : index
    %get3A_24 = tpu.vector_load %arg12[%get3A_23] {strides = array<i32>} : memref<384xf32, #tpu.memory_space<vmem>>, vector<16xf32>,
    %get3A_25 = vector.shape_cast %get3A_24 : vector<16xf32> to vector<16xf32>
    %get3A_26 = arith.constant 128 : index
    %get3A_27 = tpu.vector_load %arg12[%get3A_26] {strides = array<i32>} : memref<384xf32, #tpu.memory_space<vmem>>, vector<16xf32>,
    %get3A_28 = vector.shape_cast %get3A_27 : vector<16xf32> to vector<16xf32>
    %get3A_29 = arith.constant 144 : index
    %get3A_30 = tpu.vector_load %arg12[%get3A_29] {strides = array<i32>} : memref<384xf32, #tpu.memory_space<vmem>>, vector<16xf32>,
    %get3A_31 = vector.shape_cast %get3A_30 : vector<16xf32> to vector<16xf32>
    %get3A_32 = arith.constant 160 : index
    %get3A_33 = tpu.vector_load %arg12[%get3A_32] {strides = array<i32>} : memref<384xf32, #tpu.memory_space<vmem>>, vector<16xf32>,
    %get3A_34 = vector.shape_cast %get3A_33 : vector<16xf32> to vector<16xf32>
    %get3A_35 = arith.constant 176 : index
    %get3A_36 = tpu.vector_load %arg12[%get3A_35] {strides = array<i32>} : memref<384xf32, #tpu.memory_space<vmem>>, vector<16xf32>,
    %get3A_37 = vector.shape_cast %get3A_36 : vector<16xf32> to vector<16xf32>
    %get3A_38 = arith.constant 192 : index
    %get3A_39 = tpu.vector_load %arg12[%get3A_38] {strides = array<i32>} : memref<384xf32, #tpu.memory_space<vmem>>, vector<16xf32>,
    %get3A_40 = vector.shape_cast %get3A_39 : vector<16xf32> to vector<16xf32>
    %get3A_41 = arith.constant 208 : index
    %get3A_42 = tpu.vector_load %arg12[%get3A_41] {strides = array<i32>} : memref<384xf32, #tpu.memory_space<vmem>>, vector<16xf32>,
    %get3A_43 = vector.shape_cast %get3A_42 : vector<16xf32> to vector<16xf32>
    %get3A_44 = arith.constant 224 : index
    %get3A_45 = tpu.vector_load %arg12[%get3A_44] {strides = array<i32>} : memref<384xf32, #tpu.memory_space<vmem>>, vector<16xf32>,
    %get3A_46 = vector.shape_cast %get3A_45 : vector<16xf32> to vector<16xf32>
    %get3A_47 = arith.constant 240 : index
    %get3A_48 = tpu.vector_load %arg12[%get3A_47] {strides = array<i32>} : memref<384xf32, #tpu.memory_space<vmem>>, vector<16xf32>,
    %get3A_49 = vector.shape_cast %get3A_48 : vector<16xf32> to vector<16xf32>
    %get3A_50 = arith.constant 256 : index
    %get3A_51 = tpu.vector_load %arg12[%get3A_50] {strides = array<i32>} : memref<384xf32, #tpu.memory_space<vmem>>, vector<16xf32>,
    %get3A_52 = vector.shape_cast %get3A_51 : vector<16xf32> to vector<16xf32>
    %get3A_53 = arith.constant 272 : index
    %get3A_54 = tpu.vector_load %arg12[%get3A_53] {strides = array<i32>} : memref<384xf32, #tpu.memory_space<vmem>>, vector<16xf32>,
    %get3A_55 = vector.shape_cast %get3A_54 : vector<16xf32> to vector<16xf32>
    %get3A_56 = arith.constant 288 : index
    %get3A_57 = tpu.vector_load %arg12[%get3A_56] {strides = array<i32>} : memref<384xf32, #tpu.memory_space<vmem>>, vector<16xf32>,
    %get3A_58 = vector.shape_cast %get3A_57 : vector<16xf32> to vector<16xf32>
    %get3A_59 = arith.constant 304 : index
    %get3A_60 = tpu.vector_load %arg12[%get3A_59] {strides = array<i32>} : memref<384xf32, #tpu.memory_space<vmem>>, vector<16xf32>,
    %get3A_61 = vector.shape_cast %get3A_60 : vector<16xf32> to vector<16xf32>
    %get3A_62 = arith.constant 320 : index
    %get3A_63 = tpu.vector_load %arg12[%get3A_62] {strides = array<i32>} : memref<384xf32, #tpu.memory_space<vmem>>, vector<16xf32>,
    %get3A_64 = vector.shape_cast %get3A_63 : vector<16xf32> to vector<16xf32>
    %get3A_65 = arith.constant 336 : index
    %get3A_66 = tpu.vector_load %arg12[%get3A_65] {strides = array<i32>} : memref<384xf32, #tpu.memory_space<vmem>>, vector<16xf32>,
    %get3A_67 = vector.shape_cast %get3A_66 : vector<16xf32> to vector<16xf32>
    %get3A_68 = arith.constant 352 : index
    %get3A_69 = tpu.vector_load %arg12[%get3A_68] {strides = array<i32>} : memref<384xf32, #tpu.memory_space<vmem>>, vector<16xf32>,
    %get3A_70 = vector.shape_cast %get3A_69 : vector<16xf32> to vector<16xf32>
    %get3A_71 = arith.constant 368 : index
    %get3A_72 = tpu.vector_load %arg12[%get3A_71] {strides = array<i32>} : memref<384xf32, #tpu.memory_space<vmem>>, vector<16xf32>,
    %get3A_73 = vector.shape_cast %get3A_72 : vector<16xf32> to vector<16xf32>
    %scan3A = arith.constant 0 : i32
    %scan3A_74 = arith.constant 0 : i32
    %scan3A_75 = arith.constant 50 : i32
    %scan3A_76 = arith.addi %scan3A_74, %scan3A_75 : i32
    %scan3A_77 = arith.constant 1 : i32
    scf.for %scan3A_79 = %scan3A_74 to %scan3A_76 step %scan3A_77  : i32 {
      %mul3A_80 = arith.constant 128 : i32
      %mul3A_81 = arith.muli %scan3A_79, %mul3A_80 : i32
      %add3A_82 = arith.addi %mul3A_2, %mul3A_81 : i32
      "tpu.region"() ({
        %run_scoped3A = tpu.sem_alloc : memref<!tpu.dma_semaphore, #tpu.memory_space<semaphore_mem>>
        %dma_start3A_206 = tpu.memref_slice %arg2[%add3A_82] : memref<204800xi32, #tpu.memory_space<hbm>> -> memref<128xi32, #tpu.memory_space<hbm>>
        %dma_start3A_207 = tpu.memref_slice %arg2[%add3A_82] : memref<204800xi32, #tpu.memory_space<hbm>> -> memref<128xi32, #tpu.memory_space<hbm>>
        tpu.enqueue_dma source(%dma_start3A_207 : memref<128xi32, #tpu.memory_space<hbm>>) target(%arg8 : memref<128xi32, #tpu.memory_space<vmem>>) target_semaphore(%run_scoped3A : memref<!tpu.dma_semaphore, #tpu.memory_space<semaphore_mem>>)
        %dma_wait3A_208 = tpu.memref_slice %arg2[%add3A_82] : memref<204800xi32, #tpu.memory_space<hbm>> -> memref<128xi32, #tpu.memory_space<hbm>>
        %dma_wait3A_209 = tpu.memref_slice %arg2[%add3A_82] : memref<204800xi32, #tpu.memory_space<hbm>> -> memref<128xi32, #tpu.memory_space<hbm>>
        tpu.wait_dma2 semaphore(%run_scoped3A : memref<!tpu.dma_semaphore, #tpu.memory_space<semaphore_mem>>) src(%dma_wait3A_209 : memref<128xi32, #tpu.memory_space<hbm>>) dst(%arg8 : memref<128xi32, #tpu.memory_space<vmem>>)
        tpu.yield
      }) : () -> ()
      "tpu.region"() ({
        %run_scoped3A = tpu.sem_alloc : memref<!tpu.dma_semaphore, #tpu.memory_space<semaphore_mem>>
        %dma_start3A_206 = tpu.memref_slice %arg3[%add3A_82] : memref<204800xi32, #tpu.memory_space<hbm>> -> memref<128xi32, #tpu.memory_space<hbm>>
        %dma_start3A_207 = tpu.memref_slice %arg3[%add3A_82] : memref<204800xi32, #tpu.memory_space<hbm>> -> memref<128xi32, #tpu.memory_space<hbm>>
        tpu.enqueue_dma source(%dma_start3A_207 : memref<128xi32, #tpu.memory_space<hbm>>) target(%arg9 : memref<128xi32, #tpu.memory_space<vmem>>) target_semaphore(%run_scoped3A : memref<!tpu.dma_semaphore, #tpu.memory_space<semaphore_mem>>)
        %dma_wait3A_208 = tpu.memref_slice %arg3[%add3A_82] : memref<204800xi32, #tpu.memory_space<hbm>> -> memref<128xi32, #tpu.memory_space<hbm>>
        %dma_wait3A_209 = tpu.memref_slice %arg3[%add3A_82] : memref<204800xi32, #tpu.memory_space<hbm>> -> memref<128xi32, #tpu.memory_space<hbm>>
        tpu.wait_dma2 semaphore(%run_scoped3A : memref<!tpu.dma_semaphore, #tpu.memory_space<semaphore_mem>>) src(%dma_wait3A_209 : memref<128xi32, #tpu.memory_space<hbm>>) dst(%arg9 : memref<128xi32, #tpu.memory_space<vmem>>)
        tpu.yield
      }) : () -> ()
      %mul3A_83 = arith.constant 3 : i32
      %mul3A_84 = arith.muli %add3A_82, %mul3A_83 : i32
      "tpu.region"() ({
        %run_scoped3A = tpu.sem_alloc : memref<!tpu.dma_semaphore, #tpu.memory_space<semaphore_mem>>
        %dma_start3A_206 = arith.constant 0 : i32
        %dma_start3A_207 = tpu.memref_slice %arg10[%dma_start3A_206] : memref<400xf32, #tpu.memory_space<vmem>> -> memref<384xf32, #tpu.memory_space<vmem>>
        %dma_start3A_208 = tpu.memref_slice %arg4[%mul3A_84] : memref<614400xf32, #tpu.memory_space<hbm>> -> memref<384xf32, #tpu.memory_space<hbm>>
        %dma_start3A_209 = arith.constant 0 : i32
        %dma_start3A_210 = tpu.memref_slice %arg10[%dma_start3A_209] : memref<400xf32, #tpu.memory_space<vmem>> -> memref<384xf32, #tpu.memory_space<vmem>>
        %dma_start3A_211 = tpu.memref_slice %arg4[%mul3A_84] : memref<614400xf32, #tpu.memory_space<hbm>> -> memref<384xf32, #tpu.memory_space<hbm>>
        tpu.enqueue_dma source(%dma_start3A_211 : memref<384xf32, #tpu.memory_space<hbm>>) target(%dma_start3A_210 : memref<384xf32, #tpu.memory_space<vmem>>) target_semaphore(%run_scoped3A : memref<!tpu.dma_semaphore, #tpu.memory_space<semaphore_mem>>)
        %dma_wait3A_212 = arith.constant 0 : i32
        %dma_wait3A_213 = tpu.memref_slice %arg10[%dma_wait3A_212] : memref<400xf32, #tpu.memory_space<vmem>> -> memref<384xf32, #tpu.memory_space<vmem>>
        %dma_wait3A_214 = tpu.memref_slice %arg4[%mul3A_84] : memref<614400xf32, #tpu.memory_space<hbm>> -> memref<384xf32, #tpu.memory_space<hbm>>
        %dma_wait3A_215 = arith.constant 0 : i32
        %dma_wait3A_216 = tpu.memref_slice %arg10[%dma_wait3A_215] : memref<400xf32, #tpu.memory_space<vmem>> -> memref<384xf32, #tpu.memory_space<vmem>>
        %dma_wait3A_217 = tpu.memref_slice %arg4[%mul3A_84] : memref<614400xf32, #tpu.memory_space<hbm>> -> memref<384xf32, #tpu.memory_space<hbm>>
        tpu.wait_dma2 semaphore(%run_scoped3A : memref<!tpu.dma_semaphore, #tpu.memory_space<semaphore_mem>>) src(%dma_wait3A_217 : memref<384xf32, #tpu.memory_space<hbm>>) dst(%dma_wait3A_216 : memref<384xf32, #tpu.memory_space<vmem>>)
        tpu.yield
      }) : () -> ()
      %get3A_85 = arith.constant 0 : index
      %get3A_86 = tpu.vector_load %arg8[%get3A_85] {strides = array<i32>} : memref<128xi32, #tpu.memory_space<vmem>>, vector<16xi32>,
      %get3A_87 = vector.shape_cast %get3A_86 : vector<16xi32> to vector<16xi32>
      %mul3A_88 = arith.constant 4 : i32
      %mul3A_89 = vector.broadcast %mul3A_88 : i32 to vector<16xi32>
      %mul3A_90 = arith.muli %get3A_87, %mul3A_89 : vector<16xi32>
      %get3A_91 = arith.constant 0 : index
      %get3A_92 = tpu.vector_load %arg9[%get3A_91] {strides = array<i32>} : memref<128xi32, #tpu.memory_space<vmem>>, vector<16xi32>,
      %get3A_93 = vector.shape_cast %get3A_92 : vector<16xi32> to vector<16xi32>
      %add3A_94 = arith.addi %mul3A_90, %get3A_93 : vector<16xi32>
      %swap3A = arith.constant 0 : index
      %swap3A_95 = tpu.vector_load %arg8[%swap3A] {strides = array<i32>} : memref<128xi32, #tpu.memory_space<vmem>>, vector<16xi32>,
      %swap3A_96 = vector.shape_cast %swap3A_95 : vector<16xi32> to vector<16xi32>
      %swap3A_97 = vector.shape_cast %add3A_94 : vector<16xi32> to vector<16xi32>
      tpu.vector_store %arg8[%swap3A], %swap3A_97 {strides = array<i32>} : memref<128xi32, #tpu.memory_space<vmem>>, vector<16xi32>,
      %get3A_98 = arith.constant 16 : index
      %get3A_99 = tpu.vector_load %arg8[%get3A_98] {strides = array<i32>} : memref<128xi32, #tpu.memory_space<vmem>>, vector<16xi32>,
      %get3A_100 = vector.shape_cast %get3A_99 : vector<16xi32> to vector<16xi32>
      %mul3A_101 = arith.constant 4 : i32
      %mul3A_102 = vector.broadcast %mul3A_101 : i32 to vector<16xi32>
      %mul3A_103 = arith.muli %get3A_100, %mul3A_102 : vector<16xi32>
      %get3A_104 = arith.constant 16 : index
      %get3A_105 = tpu.vector_load %arg9[%get3A_104] {strides = array<i32>} : memref<128xi32, #tpu.memory_space<vmem>>, vector<16xi32>,
      %get3A_106 = vector.shape_cast %get3A_105 : vector<16xi32> to vector<16xi32>
      %add3A_107 = arith.addi %mul3A_103, %get3A_106 : vector<16xi32>
      %swap3A_108 = arith.constant 16 : index
      %swap3A_109 = tpu.vector_load %arg8[%swap3A_108] {strides = array<i32>} : memref<128xi32, #tpu.memory_space<vmem>>, vector<16xi32>,
      %swap3A_110 = vector.shape_cast %swap3A_109 : vector<16xi32> to vector<16xi32>
      %swap3A_111 = vector.shape_cast %add3A_107 : vector<16xi32> to vector<16xi32>
      tpu.vector_store %arg8[%swap3A_108], %swap3A_111 {strides = array<i32>} : memref<128xi32, #tpu.memory_space<vmem>>, vector<16xi32>,
      %get3A_112 = arith.constant 32 : index
      %get3A_113 = tpu.vector_load %arg8[%get3A_112] {strides = array<i32>} : memref<128xi32, #tpu.memory_space<vmem>>, vector<16xi32>,
      %get3A_114 = vector.shape_cast %get3A_113 : vector<16xi32> to vector<16xi32>
      %mul3A_115 = arith.constant 4 : i32
      %mul3A_116 = vector.broadcast %mul3A_115 : i32 to vector<16xi32>
      %mul3A_117 = arith.muli %get3A_114, %mul3A_116 : vector<16xi32>
      %get3A_118 = arith.constant 32 : index
      %get3A_119 = tpu.vector_load %arg9[%get3A_118] {strides = array<i32>} : memref<128xi32, #tpu.memory_space<vmem>>, vector<16xi32>,
      %get3A_120 = vector.shape_cast %get3A_119 : vector<16xi32> to vector<16xi32>
      %add3A_121 = arith.addi %mul3A_117, %get3A_120 : vector<16xi32>
      %swap3A_122 = arith.constant 32 : index
      %swap3A_123 = tpu.vector_load %arg8[%swap3A_122] {strides = array<i32>} : memref<128xi32, #tpu.memory_space<vmem>>, vector<16xi32>,
      %swap3A_124 = vector.shape_cast %swap3A_123 : vector<16xi32> to vector<16xi32>
      %swap3A_125 = vector.shape_cast %add3A_121 : vector<16xi32> to vector<16xi32>
      tpu.vector_store %arg8[%swap3A_122], %swap3A_125 {strides = array<i32>} : memref<128xi32, #tpu.memory_space<vmem>>, vector<16xi32>,
      %get3A_126 = arith.constant 48 : index
      %get3A_127 = tpu.vector_load %arg8[%get3A_126] {strides = array<i32>} : memref<128xi32, #tpu.memory_space<vmem>>, vector<16xi32>,
      %get3A_128 = vector.shape_cast %get3A_127 : vector<16xi32> to vector<16xi32>
      %mul3A_129 = arith.constant 4 : i32
      %mul3A_130 = vector.broadcast %mul3A_129 : i32 to vector<16xi32>
      %mul3A_131 = arith.muli %get3A_128, %mul3A_130 : vector<16xi32>
      %get3A_132 = arith.constant 48 : index
      %get3A_133 = tpu.vector_load %arg9[%get3A_132] {strides = array<i32>} : memref<128xi32, #tpu.memory_space<vmem>>, vector<16xi32>,
      %get3A_134 = vector.shape_cast %get3A_133 : vector<16xi32> to vector<16xi32>
      %add3A_135 = arith.addi %mul3A_131, %get3A_134 : vector<16xi32>
      %swap3A_136 = arith.constant 48 : index
      %swap3A_137 = tpu.vector_load %arg8[%swap3A_136] {strides = array<i32>} : memref<128xi32, #tpu.memory_space<vmem>>, vector<16xi32>,
      %swap3A_138 = vector.shape_cast %swap3A_137 : vector<16xi32> to vector<16xi32>
      %swap3A_139 = vector.shape_cast %add3A_135 : vector<16xi32> to vector<16xi32>
      tpu.vector_store %arg8[%swap3A_136], %swap3A_139 {strides = array<i32>} : memref<128xi32, #tpu.memory_space<vmem>>, vector<16xi32>,
      %get3A_140 = arith.constant 64 : index
      %get3A_141 = tpu.vector_load %arg8[%get3A_140] {strides = array<i32>} : memref<128xi32, #tpu.memory_space<vmem>>, vector<16xi32>,
      %get3A_142 = vector.shape_cast %get3A_141 : vector<16xi32> to vector<16xi32>
      %mul3A_143 = arith.constant 4 : i32
      %mul3A_144 = vector.broadcast %mul3A_143 : i32 to vector<16xi32>
      %mul3A_145 = arith.muli %get3A_142, %mul3A_144 : vector<16xi32>
      %get3A_146 = arith.constant 64 : index
      %get3A_147 = tpu.vector_load %arg9[%get3A_146] {strides = array<i32>} : memref<128xi32, #tpu.memory_space<vmem>>, vector<16xi32>,
      %get3A_148 = vector.shape_cast %get3A_147 : vector<16xi32> to vector<16xi32>
      %add3A_149 = arith.addi %mul3A_145, %get3A_148 : vector<16xi32>
      %swap3A_150 = arith.constant 64 : index
      %swap3A_151 = tpu.vector_load %arg8[%swap3A_150] {strides = array<i32>} : memref<128xi32, #tpu.memory_space<vmem>>, vector<16xi32>,
      %swap3A_152 = vector.shape_cast %swap3A_151 : vector<16xi32> to vector<16xi32>
      %swap3A_153 = vector.shape_cast %add3A_149 : vector<16xi32> to vector<16xi32>
      tpu.vector_store %arg8[%swap3A_150], %swap3A_153 {strides = array<i32>} : memref<128xi32, #tpu.memory_space<vmem>>, vector<16xi32>,
      %get3A_154 = arith.constant 80 : index
      %get3A_155 = tpu.vector_load %arg8[%get3A_154] {strides = array<i32>} : memref<128xi32, #tpu.memory_space<vmem>>, vector<16xi32>,
      %get3A_156 = vector.shape_cast %get3A_155 : vector<16xi32> to vector<16xi32>
      %mul3A_157 = arith.constant 4 : i32
      %mul3A_158 = vector.broadcast %mul3A_157 : i32 to vector<16xi32>
      %mul3A_159 = arith.muli %get3A_156, %mul3A_158 : vector<16xi32>
      %get3A_160 = arith.constant 80 : index
      %get3A_161 = tpu.vector_load %arg9[%get3A_160] {strides = array<i32>} : memref<128xi32, #tpu.memory_space<vmem>>, vector<16xi32>,
      %get3A_162 = vector.shape_cast %get3A_161 : vector<16xi32> to vector<16xi32>
      %add3A_163 = arith.addi %mul3A_159, %get3A_162 : vector<16xi32>
      %swap3A_164 = arith.constant 80 : index
      %swap3A_165 = tpu.vector_load %arg8[%swap3A_164] {strides = array<i32>} : memref<128xi32, #tpu.memory_space<vmem>>, vector<16xi32>,
      %swap3A_166 = vector.shape_cast %swap3A_165 : vector<16xi32> to vector<16xi32>
      %swap3A_167 = vector.shape_cast %add3A_163 : vector<16xi32> to vector<16xi32>
      tpu.vector_store %arg8[%swap3A_164], %swap3A_167 {strides = array<i32>} : memref<128xi32, #tpu.memory_space<vmem>>, vector<16xi32>,
      %get3A_168 = arith.constant 96 : index
      %get3A_169 = tpu.vector_load %arg8[%get3A_168] {strides = array<i32>} : memref<128xi32, #tpu.memory_space<vmem>>, vector<16xi32>,
      %get3A_170 = vector.shape_cast %get3A_169 : vector<16xi32> to vector<16xi32>
      %mul3A_171 = arith.constant 4 : i32
      %mul3A_172 = vector.broadcast %mul3A_171 : i32 to vector<16xi32>
      %mul3A_173 = arith.muli %get3A_170, %mul3A_172 : vector<16xi32>
      %get3A_174 = arith.constant 96 : index
      %get3A_175 = tpu.vector_load %arg9[%get3A_174] {strides = array<i32>} : memref<128xi32, #tpu.memory_space<vmem>>, vector<16xi32>,
      %get3A_176 = vector.shape_cast %get3A_175 : vector<16xi32> to vector<16xi32>
      %add3A_177 = arith.addi %mul3A_173, %get3A_176 : vector<16xi32>
      %swap3A_178 = arith.constant 96 : index
      %swap3A_179 = tpu.vector_load %arg8[%swap3A_178] {strides = array<i32>} : memref<128xi32, #tpu.memory_space<vmem>>, vector<16xi32>,
      %swap3A_180 = vector.shape_cast %swap3A_179 : vector<16xi32> to vector<16xi32>
      %swap3A_181 = vector.shape_cast %add3A_177 : vector<16xi32> to vector<16xi32>
      tpu.vector_store %arg8[%swap3A_178], %swap3A_181 {strides = array<i32>} : memref<128xi32, #tpu.memory_space<vmem>>, vector<16xi32>,
      %get3A_182 = arith.constant 112 : index
      %get3A_183 = tpu.vector_load %arg8[%get3A_182] {strides = array<i32>} : memref<128xi32, #tpu.memory_space<vmem>>, vector<16xi32>,
      %get3A_184 = vector.shape_cast %get3A_183 : vector<16xi32> to vector<16xi32>
      %mul3A_185 = arith.constant 4 : i32
      %mul3A_186 = vector.broadcast %mul3A_185 : i32 to vector<16xi32>
      %mul3A_187 = arith.muli %get3A_184, %mul3A_186 : vector<16xi32>
      %get3A_188 = arith.constant 112 : index
      %get3A_189 = tpu.vector_load %arg9[%get3A_188] {strides = array<i32>} : memref<128xi32, #tpu.memory_space<vmem>>, vector<16xi32>,
      %get3A_190 = vector.shape_cast %get3A_189 : vector<16xi32> to vector<16xi32>
      %add3A_191 = arith.addi %mul3A_187, %get3A_190 : vector<16xi32>
      %swap3A_192 = arith.constant 112 : index
      %swap3A_193 = tpu.vector_load %arg8[%swap3A_192] {strides = array<i32>} : memref<128xi32, #tpu.memory_space<vmem>>, vector<16xi32>,
      %swap3A_194 = vector.shape_cast %swap3A_193 : vector<16xi32> to vector<16xi32>
      %swap3A_195 = vector.shape_cast %add3A_191 : vector<16xi32> to vector<16xi32>
      tpu.vector_store %arg8[%swap3A_192], %swap3A_195 {strides = array<i32>} : memref<128xi32, #tpu.memory_space<vmem>>, vector<16xi32>,
      %dma_start3A = arith.constant 0 : i32
      %dma_start3A_196 = arith.constant 0 : i32
      %dma_start3A_197 = tpu.memref_slice %arg5[%dma_start3A, %dma_start3A_196] : memref<4000x128xf32, #tpu.memory_space<hbm>> -> memref<4000x128xf32, #tpu.memory_space<hbm>>
      tpu.enqueue_indirect_dma source(%dma_start3A_197 : memref<4000x128xf32, #tpu.memory_space<hbm>>) target(%arg11 : memref<128x128xf32, #tpu.memory_space<vmem>>) offsets(%arg8 : memref<128xi32, #tpu.memory_space<vmem>>) semaphore(%arg13 : memref<!tpu.dma_semaphore, #tpu.memory_space<semaphore_mem>>)
      %dma_wait3A = arith.constant 0 : i32
      %dma_wait3A_198 = arith.constant 0 : i32
      %dma_wait3A_199 = tpu.memref_slice %arg5[%dma_wait3A, %dma_wait3A_198] : memref<4000x128xf32, #tpu.memory_space<hbm>> -> memref<4000x128xf32, #tpu.memory_space<hbm>>
      tpu.wait_indirect_dma semaphore(%arg13 : memref<!tpu.dma_semaphore, #tpu.memory_space<semaphore_mem>>) src(%dma_wait3A_199 : memref<4000x128xf32, #tpu.memory_space<hbm>>) dst(%arg11 : memref<128x128xf32, #tpu.memory_space<vmem>>)
      %scan3A_200 = arith.constant 0 : i32
      %scan3A_201 = arith.constant 0 : i32
      %scan3A_202 = arith.constant 128 : i32
      %scan3A_203 = arith.addi %scan3A_201, %scan3A_202 : i32
      %scan3A_204 = arith.constant 1 : i32
      scf.for %scan3A_206 = %scan3A_201 to %scan3A_203 step %scan3A_204  : i32 {
        %mul3A_207 = arith.constant 3 : i32
        %mul3A_208 = arith.muli %mul3A_207, %scan3A_206 : i32
        %get3A_209 = arith.index_cast %mul3A_208 : i32 to index
        %get3A_210 = tpu.vector_load %arg10[%get3A_209] {strides = array<i32>} : memref<400xf32, #tpu.memory_space<vmem>>, vector<16xf32>,
        %get3A_211 = vector.shape_cast %get3A_210 : vector<16xf32> to vector<16xf32>
        %slice3A = vector.extract_strided_slice %get3A_211 {offsets = [0], sizes = [1], strides = [1]} : vector<16xf32> to vector<1xf32>
        %squeeze3A = vector.extract %slice3A[0] : f32 from vector<1xf32>
        %slice3A_212 = vector.extract_strided_slice %get3A_211 {offsets = [1], sizes = [1], strides = [1]} : vector<16xf32> to vector<1xf32>
        %squeeze3A_213 = vector.extract %slice3A_212[0] : f32 from vector<1xf32>
        %slice3A_214 = vector.extract_strided_slice %get3A_211 {offsets = [2], sizes = [1], strides = [1]} : vector<16xf32> to vector<1xf32>
        %squeeze3A_215 = vector.extract %slice3A_214[0] : f32 from vector<1xf32>
        %mul3A_216 = vector.broadcast %squeeze3A : f32 to vector<16xf32>
        %mul3A_217 = arith.mulf %mul3A_216, %get3A_4 : vector<16xf32>
        %mul3A_218 = vector.broadcast %squeeze3A_213 : f32 to vector<16xf32>
        %mul3A_219 = arith.mulf %mul3A_218, %get3A_28 : vector<16xf32>
        %add3A_220 = arith.addf %mul3A_217, %mul3A_219 : vector<16xf32>
        %mul3A_221 = vector.broadcast %squeeze3A_215 : f32 to vector<16xf32>
        %mul3A_222 = arith.mulf %mul3A_221, %get3A_52 : vector<16xf32>
        %add3A_223 = arith.addf %add3A_220, %mul3A_222 : vector<16xf32>
        %get3A_224 = arith.index_cast %scan3A_206 : i32 to index
        %get3A_225 = arith.constant 0 : index
        %get3A_226 = tpu.vector_load %arg11[%get3A_224, %get3A_225] {strides = array<i32>} : memref<128x128xf32, #tpu.memory_space<vmem>>, vector<1x16xf32>,
        %get3A_227 = vector.shape_cast %get3A_226 : vector<1x16xf32> to vector<16xf32>
        %add3A_228 = arith.addf %get3A_227, %add3A_223 : vector<16xf32>
        %swap3A_229 = arith.index_cast %scan3A_206 : i32 to index
        %swap3A_230 = arith.constant 0 : index
        %swap3A_231 = tpu.vector_load %arg11[%swap3A_229, %swap3A_230] {strides = array<i32>} : memref<128x128xf32, #tpu.memory_space<vmem>>, vector<1x16xf32>,
        %swap3A_232 = vector.shape_cast %swap3A_231 : vector<1x16xf32> to vector<16xf32>
        %swap3A_233 = vector.shape_cast %add3A_228 : vector<16xf32> to vector<1x16xf32>
        tpu.vector_store %arg11[%swap3A_229, %swap3A_230], %swap3A_233 {strides = array<i32>} : memref<128x128xf32, #tpu.memory_space<vmem>>, vector<1x16xf32>,
        %mul3A_234 = vector.broadcast %squeeze3A : f32 to vector<16xf32>
        %mul3A_235 = arith.mulf %mul3A_234, %get3A_7 : vector<16xf32>
        %mul3A_236 = vector.broadcast %squeeze3A_213 : f32 to vector<16xf32>
        %mul3A_237 = arith.mulf %mul3A_236, %get3A_31 : vector<16xf32>
        %add3A_238 = arith.addf %mul3A_235, %mul3A_237 : vector<16xf32>
        %mul3A_239 = vector.broadcast %squeeze3A_215 : f32 to vector<16xf32>
        %mul3A_240 = arith.mulf %mul3A_239, %get3A_55 : vector<16xf32>
        %add3A_241 = arith.addf %add3A_238, %mul3A_240 : vector<16xf32>
        %get3A_242 = arith.index_cast %scan3A_206 : i32 to index
        %get3A_243 = arith.constant 16 : index
        %get3A_244 = tpu.vector_load %arg11[%get3A_242, %get3A_243] {strides = array<i32>} : memref<128x128xf32, #tpu.memory_space<vmem>>, vector<1x16xf32>,
        %get3A_245 = vector.shape_cast %get3A_244 : vector<1x16xf32> to vector<16xf32>
        %add3A_246 = arith.addf %get3A_245, %add3A_241 : vector<16xf32>
        %swap3A_247 = arith.index_cast %scan3A_206 : i32 to index
        %swap3A_248 = arith.constant 16 : index
        %swap3A_249 = tpu.vector_load %arg11[%swap3A_247, %swap3A_248] {strides = array<i32>} : memref<128x128xf32, #tpu.memory_space<vmem>>, vector<1x16xf32>,
        %swap3A_250 = vector.shape_cast %swap3A_249 : vector<1x16xf32> to vector<16xf32>
        %swap3A_251 = vector.shape_cast %add3A_246 : vector<16xf32> to vector<1x16xf32>
        tpu.vector_store %arg11[%swap3A_247, %swap3A_248], %swap3A_251 {strides = array<i32>} : memref<128x128xf32, #tpu.memory_space<vmem>>, vector<1x16xf32>,
        %mul3A_252 = vector.broadcast %squeeze3A : f32 to vector<16xf32>
        %mul3A_253 = arith.mulf %mul3A_252, %get3A_10 : vector<16xf32>
        %mul3A_254 = vector.broadcast %squeeze3A_213 : f32 to vector<16xf32>
        %mul3A_255 = arith.mulf %mul3A_254, %get3A_34 : vector<16xf32>
        %add3A_256 = arith.addf %mul3A_253, %mul3A_255 : vector<16xf32>
        %mul3A_257 = vector.broadcast %squeeze3A_215 : f32 to vector<16xf32>
        %mul3A_258 = arith.mulf %mul3A_257, %get3A_58 : vector<16xf32>
        %add3A_259 = arith.addf %add3A_256, %mul3A_258 : vector<16xf32>
        %get3A_260 = arith.index_cast %scan3A_206 : i32 to index
        %get3A_261 = arith.constant 32 : index
        %get3A_262 = tpu.vector_load %arg11[%get3A_260, %get3A_261] {strides = array<i32>} : memref<128x128xf32, #tpu.memory_space<vmem>>, vector<1x16xf32>,
        %get3A_263 = vector.shape_cast %get3A_262 : vector<1x16xf32> to vector<16xf32>
        %add3A_264 = arith.addf %get3A_263, %add3A_259 : vector<16xf32>
        %swap3A_265 = arith.index_cast %scan3A_206 : i32 to index
        %swap3A_266 = arith.constant 32 : index
        %swap3A_267 = tpu.vector_load %arg11[%swap3A_265, %swap3A_266] {strides = array<i32>} : memref<128x128xf32, #tpu.memory_space<vmem>>, vector<1x16xf32>,
        %swap3A_268 = vector.shape_cast %swap3A_267 : vector<1x16xf32> to vector<16xf32>
        %swap3A_269 = vector.shape_cast %add3A_264 : vector<16xf32> to vector<1x16xf32>
        tpu.vector_store %arg11[%swap3A_265, %swap3A_266], %swap3A_269 {strides = array<i32>} : memref<128x128xf32, #tpu.memory_space<vmem>>, vector<1x16xf32>,
        %mul3A_270 = vector.broadcast %squeeze3A : f32 to vector<16xf32>
        %mul3A_271 = arith.mulf %mul3A_270, %get3A_13 : vector<16xf32>
        %mul3A_272 = vector.broadcast %squeeze3A_213 : f32 to vector<16xf32>
        %mul3A_273 = arith.mulf %mul3A_272, %get3A_37 : vector<16xf32>
        %add3A_274 = arith.addf %mul3A_271, %mul3A_273 : vector<16xf32>
        %mul3A_275 = vector.broadcast %squeeze3A_215 : f32 to vector<16xf32>
        %mul3A_276 = arith.mulf %mul3A_275, %get3A_61 : vector<16xf32>
        %add3A_277 = arith.addf %add3A_274, %mul3A_276 : vector<16xf32>
        %get3A_278 = arith.index_cast %scan3A_206 : i32 to index
        %get3A_279 = arith.constant 48 : index
        %get3A_280 = tpu.vector_load %arg11[%get3A_278, %get3A_279] {strides = array<i32>} : memref<128x128xf32, #tpu.memory_space<vmem>>, vector<1x16xf32>,
        %get3A_281 = vector.shape_cast %get3A_280 : vector<1x16xf32> to vector<16xf32>
        %add3A_282 = arith.addf %get3A_281, %add3A_277 : vector<16xf32>
        %swap3A_283 = arith.index_cast %scan3A_206 : i32 to index
        %swap3A_284 = arith.constant 48 : index
        %swap3A_285 = tpu.vector_load %arg11[%swap3A_283, %swap3A_284] {strides = array<i32>} : memref<128x128xf32, #tpu.memory_space<vmem>>, vector<1x16xf32>,
        %swap3A_286 = vector.shape_cast %swap3A_285 : vector<1x16xf32> to vector<16xf32>
        %swap3A_287 = vector.shape_cast %add3A_282 : vector<16xf32> to vector<1x16xf32>
        tpu.vector_store %arg11[%swap3A_283, %swap3A_284], %swap3A_287 {strides = array<i32>} : memref<128x128xf32, #tpu.memory_space<vmem>>, vector<1x16xf32>,
        %mul3A_288 = vector.broadcast %squeeze3A : f32 to vector<16xf32>
        %mul3A_289 = arith.mulf %mul3A_288, %get3A_16 : vector<16xf32>
        %mul3A_290 = vector.broadcast %squeeze3A_213 : f32 to vector<16xf32>
        %mul3A_291 = arith.mulf %mul3A_290, %get3A_40 : vector<16xf32>
        %add3A_292 = arith.addf %mul3A_289, %mul3A_291 : vector<16xf32>
        %mul3A_293 = vector.broadcast %squeeze3A_215 : f32 to vector<16xf32>
        %mul3A_294 = arith.mulf %mul3A_293, %get3A_64 : vector<16xf32>
        %add3A_295 = arith.addf %add3A_292, %mul3A_294 : vector<16xf32>
        %get3A_296 = arith.index_cast %scan3A_206 : i32 to index
        %get3A_297 = arith.constant 64 : index
        %get3A_298 = tpu.vector_load %arg11[%get3A_296, %get3A_297] {strides = array<i32>} : memref<128x128xf32, #tpu.memory_space<vmem>>, vector<1x16xf32>,
        %get3A_299 = vector.shape_cast %get3A_298 : vector<1x16xf32> to vector<16xf32>
        %add3A_300 = arith.addf %get3A_299, %add3A_295 : vector<16xf32>
        %swap3A_301 = arith.index_cast %scan3A_206 : i32 to index
        %swap3A_302 = arith.constant 64 : index
        %swap3A_303 = tpu.vector_load %arg11[%swap3A_301, %swap3A_302] {strides = array<i32>} : memref<128x128xf32, #tpu.memory_space<vmem>>, vector<1x16xf32>,
        %swap3A_304 = vector.shape_cast %swap3A_303 : vector<1x16xf32> to vector<16xf32>
        %swap3A_305 = vector.shape_cast %add3A_300 : vector<16xf32> to vector<1x16xf32>
        tpu.vector_store %arg11[%swap3A_301, %swap3A_302], %swap3A_305 {strides = array<i32>} : memref<128x128xf32, #tpu.memory_space<vmem>>, vector<1x16xf32>,
        %mul3A_306 = vector.broadcast %squeeze3A : f32 to vector<16xf32>
        %mul3A_307 = arith.mulf %mul3A_306, %get3A_19 : vector<16xf32>
        %mul3A_308 = vector.broadcast %squeeze3A_213 : f32 to vector<16xf32>
        %mul3A_309 = arith.mulf %mul3A_308, %get3A_43 : vector<16xf32>
        %add3A_310 = arith.addf %mul3A_307, %mul3A_309 : vector<16xf32>
        %mul3A_311 = vector.broadcast %squeeze3A_215 : f32 to vector<16xf32>
        %mul3A_312 = arith.mulf %mul3A_311, %get3A_67 : vector<16xf32>
        %add3A_313 = arith.addf %add3A_310, %mul3A_312 : vector<16xf32>
        %get3A_314 = arith.index_cast %scan3A_206 : i32 to index
        %get3A_315 = arith.constant 80 : index
        %get3A_316 = tpu.vector_load %arg11[%get3A_314, %get3A_315] {strides = array<i32>} : memref<128x128xf32, #tpu.memory_space<vmem>>, vector<1x16xf32>,
        %get3A_317 = vector.shape_cast %get3A_316 : vector<1x16xf32> to vector<16xf32>
        %add3A_318 = arith.addf %get3A_317, %add3A_313 : vector<16xf32>
        %swap3A_319 = arith.index_cast %scan3A_206 : i32 to index
        %swap3A_320 = arith.constant 80 : index
        %swap3A_321 = tpu.vector_load %arg11[%swap3A_319, %swap3A_320] {strides = array<i32>} : memref<128x128xf32, #tpu.memory_space<vmem>>, vector<1x16xf32>,
        %swap3A_322 = vector.shape_cast %swap3A_321 : vector<1x16xf32> to vector<16xf32>
        %swap3A_323 = vector.shape_cast %add3A_318 : vector<16xf32> to vector<1x16xf32>
        tpu.vector_store %arg11[%swap3A_319, %swap3A_320], %swap3A_323 {strides = array<i32>} : memref<128x128xf32, #tpu.memory_space<vmem>>, vector<1x16xf32>,
        %mul3A_324 = vector.broadcast %squeeze3A : f32 to vector<16xf32>
        %mul3A_325 = arith.mulf %mul3A_324, %get3A_22 : vector<16xf32>
        %mul3A_326 = vector.broadcast %squeeze3A_213 : f32 to vector<16xf32>
        %mul3A_327 = arith.mulf %mul3A_326, %get3A_46 : vector<16xf32>
        %add3A_328 = arith.addf %mul3A_325, %mul3A_327 : vector<16xf32>
        %mul3A_329 = vector.broadcast %squeeze3A_215 : f32 to vector<16xf32>
        %mul3A_330 = arith.mulf %mul3A_329, %get3A_70 : vector<16xf32>
        %add3A_331 = arith.addf %add3A_328, %mul3A_330 : vector<16xf32>
        %get3A_332 = arith.index_cast %scan3A_206 : i32 to index
        %get3A_333 = arith.constant 96 : index
        %get3A_334 = tpu.vector_load %arg11[%get3A_332, %get3A_333] {strides = array<i32>} : memref<128x128xf32, #tpu.memory_space<vmem>>, vector<1x16xf32>,
        %get3A_335 = vector.shape_cast %get3A_334 : vector<1x16xf32> to vector<16xf32>
        %add3A_336 = arith.addf %get3A_335, %add3A_331 : vector<16xf32>
        %swap3A_337 = arith.index_cast %scan3A_206 : i32 to index
        %swap3A_338 = arith.constant 96 : index
        %swap3A_339 = tpu.vector_load %arg11[%swap3A_337, %swap3A_338] {strides = array<i32>} : memref<128x128xf32, #tpu.memory_space<vmem>>, vector<1x16xf32>,
        %swap3A_340 = vector.shape_cast %swap3A_339 : vector<1x16xf32> to vector<16xf32>
        %swap3A_341 = vector.shape_cast %add3A_336 : vector<16xf32> to vector<1x16xf32>
        tpu.vector_store %arg11[%swap3A_337, %swap3A_338], %swap3A_341 {strides = array<i32>} : memref<128x128xf32, #tpu.memory_space<vmem>>, vector<1x16xf32>,
        %mul3A_342 = vector.broadcast %squeeze3A : f32 to vector<16xf32>
        %mul3A_343 = arith.mulf %mul3A_342, %get3A_25 : vector<16xf32>
        %mul3A_344 = vector.broadcast %squeeze3A_213 : f32 to vector<16xf32>
        %mul3A_345 = arith.mulf %mul3A_344, %get3A_49 : vector<16xf32>
        %add3A_346 = arith.addf %mul3A_343, %mul3A_345 : vector<16xf32>
        %mul3A_347 = vector.broadcast %squeeze3A_215 : f32 to vector<16xf32>
        %mul3A_348 = arith.mulf %mul3A_347, %get3A_73 : vector<16xf32>
        %add3A_349 = arith.addf %add3A_346, %mul3A_348 : vector<16xf32>
        %get3A_350 = arith.index_cast %scan3A_206 : i32 to index
        %get3A_351 = arith.constant 112 : index
        %get3A_352 = tpu.vector_load %arg11[%get3A_350, %get3A_351] {strides = array<i32>} : memref<128x128xf32, #tpu.memory_space<vmem>>, vector<1x16xf32>,
        %get3A_353 = vector.shape_cast %get3A_352 : vector<1x16xf32> to vector<16xf32>
        %add3A_354 = arith.addf %get3A_353, %add3A_349 : vector<16xf32>
        %swap3A_355 = arith.index_cast %scan3A_206 : i32 to index
        %swap3A_356 = arith.constant 112 : index
        %swap3A_357 = tpu.vector_load %arg11[%swap3A_355, %swap3A_356] {strides = array<i32>} : memref<128x128xf32, #tpu.memory_space<vmem>>, vector<1x16xf32>,
        %swap3A_358 = vector.shape_cast %swap3A_357 : vector<1x16xf32> to vector<16xf32>
        %swap3A_359 = vector.shape_cast %add3A_354 : vector<16xf32> to vector<1x16xf32>
        tpu.vector_store %arg11[%swap3A_355, %swap3A_356], %swap3A_359 {strides = array<i32>} : memref<128x128xf32, #tpu.memory_space<vmem>>, vector<1x16xf32>,
      }
      %scan3A_205 = arith.constant 128 : i32
      "tpu.region"() ({
        %run_scoped3A = tpu.sem_alloc : memref<!tpu.dma_semaphore, #tpu.memory_space<semaphore_mem>>
        %dma_start3A_206 = arith.constant 0 : i32
        %dma_start3A_207 = tpu.memref_slice %arg7[%add3A_82, %dma_start3A_206] : memref<204800x128xf32, #tpu.memory_space<hbm>> -> memref<128x128xf32, #tpu.memory_space<hbm>>
        %dma_start3A_208 = arith.constant 0 : i32
        %dma_start3A_209 = tpu.memref_slice %arg7[%add3A_82, %dma_start3A_208] : memref<204800x128xf32, #tpu.memory_space<hbm>> -> memref<128x128xf32, #tpu.memory_space<hbm>>
        tpu.enqueue_dma source(%arg11 : memref<128x128xf32, #tpu.memory_space<vmem>>) target(%dma_start3A_209 : memref<128x128xf32, #tpu.memory_space<hbm>>) target_semaphore(%run_scoped3A : memref<!tpu.dma_semaphore, #tpu.memory_space<semaphore_mem>>)
        %dma_wait3A_210 = arith.constant 0 : i32
        %dma_wait3A_211 = tpu.memref_slice %arg7[%add3A_82, %dma_wait3A_210] : memref<204800x128xf32, #tpu.memory_space<hbm>> -> memref<128x128xf32, #tpu.memory_space<hbm>>
        %dma_wait3A_212 = arith.constant 0 : i32
        %dma_wait3A_213 = tpu.memref_slice %arg7[%add3A_82, %dma_wait3A_212] : memref<204800x128xf32, #tpu.memory_space<hbm>> -> memref<128x128xf32, #tpu.memory_space<hbm>>
        tpu.wait_dma2 semaphore(%run_scoped3A : memref<!tpu.dma_semaphore, #tpu.memory_space<semaphore_mem>>) src(%arg11 : memref<128x128xf32, #tpu.memory_space<vmem>>) dst(%dma_wait3A_213 : memref<128x128xf32, #tpu.memory_space<hbm>>)
        tpu.yield
      }) : () -> ()
    }
    %scan3A_78 = arith.constant 50 : i32
    return
  }
}

module attributes {stable_mosaic.version = 14 : i64} {
  func.func @body(%arg0: memref<1000x128xf32, #tpu.memory_space<vmem>>, %arg1: memref<4x128xf32, #tpu.memory_space<vmem>>, %arg2: memref<1x128xf32, #tpu.memory_space<vmem>>, %arg3: memref<1000x4x128xf32, #tpu.memory_space<vmem>>) attributes {dimension_semantics = [], scalar_prefetch = 0 : i64, scratch_operands = 0 : i64, tpu.core_type = #tpu.core_type<tc>} {
    %get3A = arith.constant 0 : index
    %get3A_0 = arith.constant 0 : index
    %get3A_1 = vector.load %arg1[%get3A, %get3A_0] : memref<4x128xf32, #tpu.memory_space<vmem>>, vector<4x128xf32>
    %get3A_2 = arith.constant 0 : index
    %get3A_3 = arith.constant 0 : index
    %get3A_4 = vector.load %arg2[%get3A_2, %get3A_3] : memref<1x128xf32, #tpu.memory_space<vmem>>, vector<1x128xf32>
    %add3A = vector.broadcast %get3A_4 : vector<1x128xf32> to vector<4x128xf32>
    %add3A_5 = arith.addf %get3A_1, %add3A : vector<4x128xf32>
    %get3A_6 = arith.constant 0 : index
    %get3A_7 = arith.constant 0 : index
    %get3A_8 = vector.load %arg0[%get3A_6, %get3A_7] : memref<1000x128xf32, #tpu.memory_space<vmem>>, vector<1000x128xf32>
    %broadcast_in_dim3A = vector.shape_cast %get3A_8 : vector<1000x128xf32> to vector<1000x1x128xf32>
    %broadcast_in_dim3A_9 = vector.shape_cast %add3A_5 : vector<4x128xf32> to vector<1x4x128xf32>
    %add3A_10 = vector.broadcast %broadcast_in_dim3A : vector<1000x1x128xf32> to vector<1000x4x128xf32>
    %add3A_11 = vector.broadcast %broadcast_in_dim3A_9 : vector<1x4x128xf32> to vector<1000x4x128xf32>
    %add3A_12 = arith.addf %add3A_10, %add3A_11 : vector<1000x4x128xf32>
    %swap3A = arith.constant 0 : index
    %swap3A_13 = arith.constant 0 : index
    %swap3A_14 = arith.constant 0 : index
    %swap3A_15 = vector.load %arg3[%swap3A, %swap3A_13, %swap3A_14] : memref<1000x4x128xf32, #tpu.memory_space<vmem>>, vector<1000x4x128xf32>
    tpu.vector_store %arg3[%swap3A, %swap3A_13, %swap3A_14], %add3A_12 {strides = array<i32>} : memref<1000x4x128xf32, #tpu.memory_space<vmem>>, vector<1000x4x128xf32>,
    return
  }
}

</mosaic_0001>

<sc_bundles>
// kernel: kernel.4.cloned.1.call-start
scs
__scs_entry_jumppad:
0x0: {  	(pc) =	sbr.rel $0x88, $3  }
0x1: {  	(tag) =	ssettag $0x0;
	lr =	simm.s32 $0x1  }
0x2: {  	[smem:$0x3F9A] =	sst lr;
	_ =	strace $0xD0000000  }
0x3: {  	_ = 	snop  }
0x4: {  	_ = 	snop  }
0x5: {  	_ = 	snop  }
0x6: {  	_ = 	snop  }
0x7: {  	_ = 	snop  }
__scs_overlays_trampoline_lowered:
0x8: {  	[smem:$0x3FA9] =	sst s0  }
0x9: {  	[smem:$0x3FAA] =	sst s1  }
0xa: {  	[smem:$0x3FAB] =	sst s2  }
0xb: {  	[smem:$0x3FAC] =	sst s3  }
0xc: {  	[smem:$0x3FAD] =	sst s4  }
0xd: {  	[smem:$0x3FAE] =	sst s5  }
0xe: {  	[smem:$0x3FAF] =	sst s6  }
0xf: {  	[smem:$0x3FB0] =	sst s7  }
0x10: {  	[smem:$0x3FB1] =	sst s8  }
0x11: {  	[smem:$0x3FB2] =	sst s9;
	s0 =	simm.s32 @!p0 $0x0  }
0x12: {  	s1 =	sld [smem:$0x3F98];
	s0 =	simm.s32 @p0 $0x1  }
0x13: {  	[smem:$0x3FB3] =	sst s0;
	s0 =	simm.s32 @!p1 $0x0  }
0x14: {  	s2 =	sld [smem:$0x3F97];
	s0 =	simm.s32 @p1 $0x1  }
0x15: {  	[smem:$0x3FB4] =	sst s0;
	s0 =	simm.s32 @!p2 $0x0  }
0x16: {  	s3 =	sld [smem:$0x3FDB];
	s0 =	simm.s32 @p2 $0x1  }
0x17: {  	s4 =	simm.s32 $0x1BF5;
	[smem:$0x3FB6] =	sst s0  }
0x18: {  	s0 =	sld [smem:$0x3F99];
	_ =	swait.ge [sflag:s4], $0x0  }
0x19: {  	s7 =	sld [smem:$0x3F9A]  }
0x1a: {  	s8 =	sadd.s32 $0xFFFFE003, lr  }
0x1b: {  	s9 =	sadd.s32 $0xFFFFFEF7, lr;
	s5 =	simm.s32 $0xFFFFFFFF;
	p2 =	slt.u32 s8, $0xFFFFF086  }
0x1c: {  	p1 =	slt.u32 s9, $0xF7A;
	s5 =	simm.s32 @!p2 $0x0  }
0x1d: {  	s5 =	simm.s32 @p1 $0x1;
	p0 =	seq.s32 s7, s2  }
0x1e: {  	s7 =	smul.u32 @!p0 $0xF7A, s2;
	p2 =	seq.s32 @!p0 s5, $0x0  }
0x1f: {  	s9 =	smul.u32 $0xF7A, s1;
	s8 =	simm.s32 @!p0 $0x1BF5;
	p2 =	por !p2, p0  }
0x20: {  	[sflag:s8] =	ssyncset.s32 @!p0 $0xFFFFF086;
	s6 =	sadd.s32 @!p0 s3, s7;
	s7 =	simm.s32 @!p0 $0x108  }
0x21: {  	s3 =	sadd.s32 s3, s9;
	s6 =	sadd.s32 @!p0 $0x88, s6;
	s7 =	simm.s32 @p2 $0x1082  }
0x22: {  	[simem:s7], [sflag:s8] =	dma.local @!p0 [hbm:s6], $0xF7A  }
0x23: {  	s9 =	sor.u32 $0xD0000000, s2;
	s6 =	simm.s32 $0x108;
	_ =	swait.ge @!p0 [sflag:s8], $0x0  }
0x24: {  	s3 =	sadd.s32 $0x88, s3;
	s6 =	simm.s32 @!p1 $0x1082;
	[sflag:s4] =	ssyncset.s32 $0xFFFFF086  }
0x25: {  	[simem:s6], [sflag:s4] =	dma.local [hbm:s3], $0xF7A  }
0x26: {  	[smem:$0x3F9A] =	sst s1;
	(tag) =	ssettag s2;
	_ =	strace s9  }
0x27: {  	s1 =	sld [smem:$0x3FAA]  }
0x28: {  	s2 =	sld [smem:$0x3FAB]  }
0x29: {  	s4 =	sld [smem:$0x3FAD]  }
0x2a: {  	p0 =	seq.s32 s5, $0x0;
	s5 =	sld [smem:$0x3FAE]  }
0x2b: {  	s6 =	sld [smem:$0x3FAF]  }
0x2c: {  	s7 =	sld [smem:$0x3FB0]  }
0x2d: {  	s3 =	simm.s32 $0x108;
	s8 =	sld [smem:$0x3FB1]  }
0x2e: {  	s3 =	simm.s32 @!p0 $0x1082;
	s9 =	sld [smem:$0x3FB2]  }
0x2f: {  	lr =	sadd.s32 s0, s3;
	s0 =	sld [smem:$0x3FA9]  }
0x30: {  	s3 =	sld [smem:$0x3FAC]  }
0x31: {  	[smem:$0x3FB5] =	sst s10  }
0x32: {  	s10 =	sld [smem:$0x3FB3];
	_ =	sdelay $0x3  }
0x33: {  	p0 =	seq.s32 s10, $0x1;
	s10 =	sld [smem:$0x3FB5];
	_ =	sdelay $0x3  }
0x34: {  	[smem:$0x3FB5] =	sst s10  }
0x35: {  	s10 =	sld [smem:$0x3FB4];
	_ =	sdelay $0x3  }
0x36: {  	p1 =	seq.s32 s10, $0x1;
	s10 =	sld [smem:$0x3FB5];
	_ =	sdelay $0x3  }
0x37: {  	[smem:$0x3FB5] =	sst s10  }
0x38: {  	s10 =	sld [smem:$0x3FB6]  }
0x39: {  	_ = 	snop;
	(pc) =	sbr.ind lr, $3  }
0x3a: {  	_ = 	snop  }
0x3b: {  	_ = 	snop  }
0x3c: {  	p2 =	seq.s32 s10, $0x1;
	s10 =	sld [smem:$0x3FB5]  }
0x3d: {  	_ =	shalt  }
0x3e: {  	_ =	shalt  }
0x3f: {  	_ =	shalt  }
0x40: {  	_ =	shalt  }
0x41: {  	_ =	shalt  }
0x42: {  	_ =	shalt  }
0x43: {  	_ =	shalt  }
0x44: {  	_ =	shalt  }
0x45: {  	_ =	shalt  }
0x46: {  	_ =	shalt  }
0x47: {  	_ =	shalt  }
0x48: {  	_ =	shalt  }
0x49: {  	_ =	shalt  }
0x4a: {  	_ =	shalt  }
0x4b: {  	_ =	shalt  }
0x4c: {  	_ =	shalt  }
0x4d: {  	_ =	shalt  }
0x4e: {  	_ =	shalt  }
0x4f: {  	_ =	shalt  }
0x50: {  	_ =	shalt  }
0x51: {  	_ =	shalt  }
0x52: {  	_ =	shalt  }
0x53: {  	_ =	shalt  }
0x54: {  	_ =	shalt  }
0x55: {  	_ =	shalt  }
0x56: {  	_ =	shalt  }
0x57: {  	_ =	shalt  }
0x58: {  	_ =	shalt  }
0x59: {  	_ =	shalt  }
0x5a: {  	_ =	shalt  }
0x5b: {  	_ =	shalt  }
0x5c: {  	_ =	shalt  }
0x5d: {  	_ =	shalt  }
0x5e: {  	_ =	shalt  }
0x5f: {  	_ =	shalt  }
0x60: {  	_ =	shalt  }
0x61: {  	_ =	shalt  }
0x62: {  	_ =	shalt  }
0x63: {  	_ =	shalt  }
0x64: {  	_ =	shalt  }
0x65: {  	_ =	shalt  }
0x66: {  	_ =	shalt  }
0x67: {  	_ =	shalt  }
0x68: {  	_ =	shalt  }
0x69: {  	_ =	shalt  }
0x6a: {  	_ =	shalt  }
0x6b: {  	_ =	shalt  }
0x6c: {  	_ =	shalt  }
0x6d: {  	_ =	shalt  }
0x6e: {  	_ =	shalt  }
0x6f: {  	_ =	shalt  }
0x70: {  	_ =	shalt  }
0x71: {  	_ =	shalt  }
0x72: {  	_ =	shalt  }
0x73: {  	_ =	shalt  }
0x74: {  	_ =	shalt  }
0x75: {  	_ =	shalt  }
0x76: {  	_ =	shalt  }
0x77: {  	_ =	shalt  }
0x78: {  	_ =	shalt  }
0x79: {  	_ =	shalt  }
0x7a: {  	_ =	shalt  }
0x7b: {  	_ =	shalt  }
0x7c: {  	_ =	shalt  }
0x7d: {  	_ =	shalt  }
0x7e: {  	_ =	shalt  }
0x7f: {  	_ =	shalt  }
0x80: {  	_ =	shalt  }
0x81: {  	_ =	shalt  }
0x82: {  	_ =	shalt  }
0x83: {  	_ =	shalt  }
0x84: {  	_ =	shalt  }
0x85: {  	_ =	shalt  }
0x86: {  	_ =	shalt  }
0x87: {  	_ =	shalt  }
.Lfunc_end0:
.L_simem_size_0:
called_computation_lowered:
.L_overlay_start_0:
0x88: {  	s2 =	sld [smem:$0x3FD9]  }
0x89: {  	s3 =	sld [smem:$0x3FFE];
	_ =	sdelay $0x1  }
0x8a: {  	s1 =	srdreg.scid  }
0x8b: {  	s0 =	sand.u32 $0x1, s1  }
0x8c: {  	s17 =	sshll.u32 s0, $0xA;
	s2 =	sadd.s32 s3, s2  }
0x8d: {  	s2 =	sadd.s32 s2, s17  }
0x8e: {  	[smem:$0x3FC1] =	sst s2  }
0x8f: {  	_ = 	snop  }
0x90: {  	s2 =	sld [smem:$0x3FC4]  }
0x91: {  	s18 =	sld [smem:$0x3FD0];
	(tm) =	ssettm $0x1  }
0x92: {  	s4 =	sld [smem:$0x3FFB];
	_ =	sdelay $0x3  }
0x93: {  	_ =	strace s4  }
0x94: {  	s4 =	sld [smem:$0x3FFC];
	_ =	sdelay $0x3  }
0x95: {  	_ =	strace s4  }
0x96: {  	s4 =	sld [smem:$0x3FFD];
	_ =	sdelay $0x3  }
0x97: {  	_ =	strace s4  }
0x98: {  	_ =	strace $0x8FFFFFFF  }
0x99: {  	s19 =	sld [smem:$0x3FDB];
	_ =	sdelay $0x1  }
0x9a: {  	s5 =	simm.s32 $_scs_section_size  }
0x9b: {  	s6 =	simm.s32 $_size__tile_overlayer_lowered;
	s7 =	simm.s32 $_tile_overlayer_lowered  }
0x9c: {  	s22 =	simm.s32 $0x1BFF;
	s21 =	sshll.u32 s7, $0x1;
	s4 =	sadd.s32 s5, s19  }
0x9d: {  	s8 =	simm.s32 $0x0;
	s20 =	sshll.u32 s6, $0x1;
	s6 =	sadd.s32 s21, s4  }
0x9e: {  	[timem:s8], [sflag:s22] =	dma.local [hbm:s6], s20  }
0x9f: {  	_ =	swait.ge [sflag:s22], s20  }
0xa0: {  	s5 =	ssub.s32 $0x0, s20;
	[sflag:s22] =	ssyncset.done $0x0  }
0xa1: {  	[sflag:s22] =	ssyncadd.s32 s5;
	_ =	sdelay $0x1  }
0xa2: {  	s23 =	simm.s32 $0x1B8B  }
0xa3: {  	_ =	swait.ge [sflag:s23], $0x1  }
0xa4: {  	[sflag:s23] =	ssyncset.done $0x0  }
0xa5: {  	s25 =	simm.s32 $0x1B8E;
	s24 =	sld [smem:$0x3FFE];
	[sflag:s23] =	ssyncadd.s32 $0xFFFFFFFF  }
0xa6: {  	s26 =	simm.s32 $execute0_lowered;
	[smem:$0x3FD2] =	sst s25  }
0xa7: {  	s6 =	sshll.u32 s26, $0x1;
	_ =	strace $0x80000046;
	[dreg:$0x1] =	wrdreg $0xFFFFFFFF  }
0xa8: {  	s28 =	simm.s32 $_size_execute0_lowered;
	s4 =	sadd.s32 s4, s6;
	[dreg:$0x0] =	wrdreg $0x0  }
0xa9: {  	s6 =	sshll.u32 s28, $0x1;
	[dreg:$0x2] =	wrdreg s4  }
0xaa: {  	[dreg:$0x3] =	wrdreg s6  }
0xab: {  	[dreg:$0x4] =	wrdreg $0xC0  }
0xac: {  	_ =	task [dreg:s8], $0x5FFFF  }
0xad: {  	[dreg:$0x1] =	wrdreg $0xFFFFFFFF  }
0xae: {  	[dreg:$0x0] =	wrdreg $0x60  }
0xaf: {  	[dreg:$0x2] =	wrdreg s24  }
0xb0: {  	[dreg:$0x3] =	wrdreg s2  }
0xb1: {  	[dreg:$0x4] =	wrdreg s18  }
0xb2: {  	[dreg:$0x5] =	wrdreg $0x9  }
0xb3: {  	_ =	task.clear_ibuf [dreg:s8], $0x6FFFF;
	_ =	strace $0x90000046  }
0xb4: {  	s29 =	simm.s32 $0x9;
	_ =	strace $0x80000048  }
0xb5: {  	_ =	swait.ge [sflag:s29], $0x1  }
0xb6: {  	[sflag:s29] =	ssyncadd.s32 $0xFFFFFFFF  }
0xb7: {  	_ =	strace $0x90000048  }
0xb8: {  	_ =	sfence  }
0xb9: {  	s30 =	sld [smem:$0x0];
	_ =	sdelay $0x2  }
0xba: {  	s31 =	sshll.u32 s1, $0xD;
	s1 =	sshrl.u32 s1, $0x2  }
0xbb: {  	s3 =	sand.u32 $0x4000, s31;
	s1 =	sadd.s32 s1, s30  }
0xbc: {  	s0 =	sor.u32 s3, s0;
	s1 =	sshll.u32 s1, $0x11  }
0xbd: {  	s0 =	sor.u32 s1, s0  }
0xbe: {  	s0 =	sadd.s32 $0x8F2B, s0  }
0xbf: {  	[sflag:s0] =	ssyncadd.remote.s32 $0x1  }
0xc0: {  	_ =	sfence.sel $0xFFFF  }
0xc1: {  	[dreg:$0x0] =	wrdreg $0xFFFFFFFF;
	(pc) =	sbr.abs _section_cstart, $3  }
0xc2: {  	[dreg:$0x1] =	wrdreg $0xFFFFFFFF  }
0xc3: {  	_ =	task.clear_ibuf [dreg:s8], $0x2FFFF;
	_ =	strace $0x9FFFFFFF  }
0xc4: {  	(tm) =	ssettm $0x7FFFFFFF  }
0xc5: {  	_ =	shalt  }
tec
execute0_lowered:
.L_overlay_start_1:
0x0: {  	(tag) =	ssettag $0x1  }
0x1: {  	s8 =	rddreg [dreg:$0x0]  }
0x2: {  	s1 =	rddreg [dreg:$0x1]  }
0x3: {  	s2 =	rddreg [dreg:$0x2]  }
0x4: {  	s0 =	rddreg [dreg:$0x3]  }
0x5: {  	s3 =	simm.s32 $0x0;
	s4 =	srdreg.scid;
	s13 =	simm.s32 $0x80  }
0x6: {  	s14 =	simm.s32 $0x100;
	s15 =	simm.s32 $0x300;
	s16 =	simm.s32 $0x1  }
0x7: {  	s17 =	simm.s32 $0x0;
	[smem:$0x7FF] =	sst s3;
	s5 =	sadd.s32 $0x1000, s8  }
0x8: {  	s9 =	sand.u32 $0x1, s4;
	s6 =	sadd.s32 $0x7400, s8;
	s4 =	stileid.u32  }
0x9: {  	s7 =	sadd.s32 $0xD800, s8;
	s8 =	sadd.s32 $0x20400, s8;
	s10 =	ssub.s32 $0x2, s9  }
0xa: {  	_ =	strace $0x80000047;
	s12 =	sshll.u32 s4, $0x1;
	s11 =	sshrl.u32 s10, $0x1  }
0xb: {  	s9 =	sor.u32 s9, s12;
	s12 =	simm.s32 $0x2;
	s10 =	ssub.s32 s10, s11  }
0xc: {  	s9 =	smul.u32 $0x1900, s9;
	s11 =	simm.s32 $0x4300;
	s10 =	smax.u32 s10, $0x1  }
.LBB2_1:
0xd: {  	[tilespmem:s11], [sflag:$0x2] =	stream.linear.gather [hbm4b:s1+s3], $0x180, $0x38;
	[tilespmem:$0x4480] =	vst v63  }
0xe: {  	_ =	swait.ge [sflag:s12], $0x180  }
0xf: {  	[sflag:s12] =	ssyncset.done $0x0  }
0x10: {  	[sflag:s12] =	ssyncadd.s32 $0xFFFFFE80  }
0x11: {  	v0 =	vld [tilespmem:$0x4300]  }
0x12: {  	v1 =	vld [tilespmem:$0x4310]  }
0x13: {  	v2 =	vld [tilespmem:$0x4320]  }
0x14: {  	v3 =	vld [tilespmem:$0x4330]  }
0x15: {  	v4 =	vld [tilespmem:$0x4340]  }
0x16: {  	v5 =	vld [tilespmem:$0x4350]  }
0x17: {  	v6 =	vld [tilespmem:$0x4360]  }
0x18: {  	v7 =	vld [tilespmem:$0x4370]  }
0x19: {  	v8 =	vld [tilespmem:$0x4380]  }
0x1a: {  	v9 =	vld [tilespmem:$0x4390]  }
0x1b: {  	v10 =	vld [tilespmem:$0x43A0]  }
0x1c: {  	v11 =	vld [tilespmem:$0x43B0]  }
0x1d: {  	v12 =	vld [tilespmem:$0x43C0]  }
0x1e: {  	v13 =	vld [tilespmem:$0x43D0]  }
0x1f: {  	v14 =	vld [tilespmem:$0x43E0]  }
0x20: {  	v15 =	vld [tilespmem:$0x43F0]  }
0x21: {  	v16 =	vld [tilespmem:$0x4400]  }
0x22: {  	v17 =	vld [tilespmem:$0x4410]  }
0x23: {  	v18 =	vld [tilespmem:$0x4420]  }
0x24: {  	v19 =	vld [tilespmem:$0x4430]  }
0x25: {  	v20 =	vld [tilespmem:$0x4440]  }
0x26: {  	v21 =	vld [tilespmem:$0x4450]  }
0x27: {  	v22 =	vld [tilespmem:$0x4460]  }
0x28: {  	s18 =	simm.s32 $0x0;
	v23 =	vld [tilespmem:$0x4470]  }
.LBB2_2:
0x29: {  	s19 =	sshll.u32 s18, $0x7  }
0x2a: {  	s19 =	sadd.s32 s9, s19  }
0x2b: {  	s20 =	sshrl.u32 s19, $0x3  }
0x2c: {  	s22 =	simm.s32 $0x0;
	s21 =	sadd.s32 s5, s20  }
0x2d: {  	[tilespmem:s22], [sflag:$0x2] =	stream.linear.gather [hbm4b:s21+s22], $0x80, $0x38;
	[tilespmem:$0x4480] =	vst v63  }
0x2e: {  	_ =	swait.ge [sflag:s12], $0x80  }
0x2f: {  	[sflag:s12] =	ssyncset.done $0x0  }
0x30: {  	s30 =	smul.u32 $0x3, s19;
	s20 =	sadd.s32 s6, s20;
	[sflag:s12] =	ssyncadd.s32 $0xFFFFFF80  }
0x31: {  	[tilespmem:s13], [sflag:$0x2] =	stream.linear.gather [hbm4b:s20+s22], $0x80, $0x38;
	[tilespmem:$0x4480] =	vst v63  }
0x32: {  	_ =	swait.ge [sflag:s12], $0x80  }
0x33: {  	s20 =	sshrl.u32 s30, $0x3;
	[sflag:s12] =	ssyncset.done $0x0  }
0x34: {  	s20 =	sadd.s32 s7, s20;
	[sflag:s12] =	ssyncadd.s32 $0xFFFFFF80  }
0x35: {  	[tilespmem:s14], [sflag:$0x2] =	stream.linear.gather [hbm4b:s20+s22], $0x180, $0x38;
	[tilespmem:$0x4480] =	vst v63  }
0x36: {  	_ =	swait.ge [sflag:s12], $0x180  }
0x37: {  	[sflag:s12] =	ssyncset.done $0x0  }
0x38: {  	[sflag:s12] =	ssyncadd.s32 $0xFFFFFE80  }
0x39: {  	v24 =	vld [tilespmem:$0x0]  }
0x3a: {  	v25 =	vld [tilespmem:$0x80]  }
0x3b: {  	v26 =	vld [tilespmem:$0x10]  }
0x3c: {  	v27 =	vld [tilespmem:$0x90]  }
0x3d: {  	v28 =	vld [tilespmem:$0x20]  }
0x3e: {  	v29 =	vld [tilespmem:$0xA0]  }
0x3f: {  	v30 =	vld [tilespmem:$0x30]  }
0x40: {  	v31 =	vld [tilespmem:$0xB0]  }
0x41: {  	v32 =	vld [tilespmem:$0x40]  }
0x42: {  	v33 =	vld [tilespmem:$0xC0]  }
0x43: {  	v34 =	vld [tilespmem:$0x50]  }
0x44: {  	v35 =	vld [tilespmem:$0xD0]  }
0x45: {  	v36 =	vld [tilespmem:$0x60];
	v24 =	vshll.u32 v24, $0x2  }
0x46: {  	v37 =	vld [tilespmem:$0xE0];
	v63 =	vshll.u32 v26, $0x2;
	v24 =	vadd.s32 v25, v24  }
0x47: {  	v40 =	vld [tilespmem:$0x70];
	v39 =	vshll.u32 v28, $0x2;
	v38 =	vadd.s32 v27, v63;
	[tilespmem:$0x0] =	vst v24  }
0x48: {  	v43 =	vld [tilespmem:$0xF0];
	v42 =	vshll.u32 v30, $0x2;
	v41 =	vadd.s32 v29, v39;
	[tilespmem:$0x10] =	vst v38  }
0x49: {  	v45 =	vshll.u32 v32, $0x2;
	v44 =	vadd.s32 v31, v42;
	[tilespmem:$0x20] =	vst v41  }
0x4a: {  	v47 =	vshll.u32 v34, $0x2;
	v46 =	vadd.s32 v33, v45;
	[tilespmem:$0x30] =	vst v44  }
0x4b: {  	v49 =	vshll.u32 v36, $0x2;
	v48 =	vadd.s32 v35, v47;
	[tilespmem:$0x40] =	vst v46  }
0x4c: {  	v51 =	vshll.u32 v40, $0x2;
	v50 =	vadd.s32 v37, v49;
	[tilespmem:$0x50] =	vst v48  }
0x4d: {  	v52 =	vadd.s32 v43, v51;
	[tilespmem:$0x60] =	vst v50  }
0x4e: {  	[tilespmem:$0x70] =	vst v52  }
0x4f: {  	[tilespmem:s15], [sflag:$0x1] =	stream.indirect.gather [hbm4b:s8+s13], $0x80, s22, s13, $0xb8;
	[tilespmem:$0x4480] =	vst v63  }
0x50: {  	_ =	swait.ge [sflag:s16], $0x4000  }
0x51: {  	[sflag:s16] =	ssyncset.done $0x0  }
0x52: {  	s31 =	simm.s32 $0x0;
	[sflag:s16] =	ssyncadd.s32 $0xFFFFC000  }
0x53: {  	v53 =	vld [tilespmem:s31+$0x100];
	_ =	sdelay $0x4  }
0x54: {  	v54 =	vbroadcast v53, $0x0  }
0x55: {  	v26 =	vbroadcast v53, $0x1  }
0x56: {  	v24 =	vbroadcast v53, $0x2;
	v55 =	vmul.f32 v54, v0  }
0x57: {  	v56 =	vmul.f32 v26, v8;
	v58 =	vmul.f32 v54, v1  }
0x58: {  	v59 =	vmul.f32 v26, v9;
	v60 =	vmul.f32 v24, v16  }
0x59: {  	v61 =	vmul.f32 v24, v17;
	v63 =	vmul.f32 v54, v2  }
0x5a: {  	v40 =	vmul.f32 v26, v10;
	v41 =	vmul.f32 v24, v18  }
0x5b: {  	v43 =	vmul.f32 v54, v3;
	v44 =	vmul.f32 v26, v11  }
0x5c: {  	v45 =	vmul.f32 v24, v19;
	v47 =	vmul.f32 v26, v12  }
0x5d: {  	v37 =	vmul.f32 v54, v5;
	v51 =	vmul.f32 v26, v13  }
0x5e: {  	s20 =	simm.s32 $0x340;
	v53 =	vmul.f32 v26, v14;
	v25 =	vmul.f32 v54, v7  }
0x5f: {  	v57 =	vld [tilespmem:s20+$0xFFFFFFC0];
	v26 =	vmul.f32 v26, v15;
	v27 =	vadd.f32 v56, v55;
	v30 =	vadd.f32 v59, v58  }
0x60: {  	v62 =	vld [tilespmem:s20+$0xFFFFFFD0];
	v46 =	vmul.f32 v54, v4;
	v31 =	vadd.f32 v40, v63;
	v32 =	vadd.f32 v44, v43  }
0x61: {  	v42 =	vld [tilespmem:s20+$0xFFFFFFE0];
	v49 =	vmul.f32 v24, v20;
	v35 =	vadd.f32 v51, v37;
	v25 =	vadd.f32 v26, v25  }
0x62: {  	v48 =	vld [tilespmem:s20+$0xFFFFFFF0];
	v52 =	vmul.f32 v24, v21;
	v27 =	vadd.f32 v27, v60;
	v30 =	vadd.f32 v30, v61  }
0x63: {  	v38 =	vld [tilespmem:s20+$0x10];
	v56 =	vmul.f32 v24, v22;
	v28 =	vadd.f32 v31, v41;
	v31 =	vadd.f32 v47, v46  }
0x64: {  	v58 =	vld [tilespmem:s20+$0x30];
	v24 =	vmul.f32 v24, v23;
	v29 =	vadd.f32 v32, v45;
	v27 =	vadd.f32 v27, v57  }
0x65: {  	v50 =	vld [tilespmem:s20+$0x0];
	v39 =	vmul.f32 v54, v6;
	v59 =	vadd.f32 v35, v52;
	v30 =	vadd.f32 v30, v62  }
0x66: {  	v54 =	vld [tilespmem:s20+$0x20];
	v24 =	vadd.f32 v25, v24;
	v28 =	vadd.f32 v42, v28;
	[tilespmem:s20+$0xFFFFFFC0] =	vst v27  }
0x67: {  	v55 =	vadd.f32 v48, v29;
	v57 =	vadd.f32 v53, v39;
	[tilespmem:s20+$0xFFFFFFD0] =	vst v30  }
0x68: {  	v31 =	vadd.f32 v31, v49;
	v62 =	vadd.f32 v38, v59;
	[tilespmem:s20+$0xFFFFFFE0] =	vst v28  }
0x69: {  	v24 =	vadd.f32 v58, v24;
	v61 =	vadd.f32 v57, v56;
	[tilespmem:s20+$0xFFFFFFF0] =	vst v55  }
0x6a: {  	v60 =	vadd.f32 v50, v31;
	[tilespmem:s20+$0x10] =	vst v62  }
0x6b: {  	[tilespmem:s20+$0x30] =	vst v24;
	v63 =	vadd.f32 v54, v61  }
0x6c: {  	[tilespmem:s20+$0x0] =	vst v60  }
0x6d: {  	s21 =	simm.s32 $0x18;
	s22 =	simm.s32 $0x3;
	[tilespmem:s20+$0x20] =	vst v63  }
.LBB2_3:
0x6e: {  	p0 =	sne.s32 s21, $0x5F4;
	v24 =	vld [tilespmem:s22+$0x100];
	_ =	sdelay $0x4  }
0x6f: {  	v25 =	vbroadcast v24, $0x0;
	v26 =	vbroadcast v24, $0x1  }
0x70: {  	v24 =	vbroadcast v24, $0x2  }
0x71: {  	s20 =	sadd.s32 $0x80, s20;
	v27 =	vmul.f32 v25, v0;
	v28 =	vmul.f32 v26, v8  }
0x72: {  	v30 =	vmul.f32 v25, v1;
	v31 =	vmul.f32 v26, v9;
	v29 =	vld [tilespmem:s20+$0xFFFFFFC0]  }
0x73: {  	v32 =	vmul.f32 v24, v17;
	v27 =	vadd.f32 v28, v27;
	v28 =	vmul.f32 v24, v16;
	v33 =	vld [tilespmem:s20+$0xFFFFFFD0]  }
0x74: {  	v34 =	vmul.f32 v26, v10;
	v30 =	vadd.f32 v31, v30;
	v31 =	vmul.f32 v25, v2  }
0x75: {  	v36 =	vmul.f32 v25, v3;
	v27 =	vadd.f32 v27, v28;
	v28 =	vmul.f32 v24, v18;
	v35 =	vld [tilespmem:s20+$0xFFFFFFE0]  }
0x76: {  	v30 =	vadd.f32 v30, v32;
	v31 =	vadd.f32 v34, v31;
	v32 =	vmul.f32 v26, v11  }
0x77: {  	v34 =	vmul.f32 v25, v4;
	v27 =	vadd.f32 v27, v29;
	v29 =	vmul.f32 v24, v19  }
0x78: {  	v28 =	vadd.f32 v31, v28;
	v30 =	vadd.f32 v30, v33;
	v31 =	vld [tilespmem:s20+$0xFFFFFFF0];
	v33 =	vmul.f32 v26, v12  }
0x79: {  	v37 =	vmul.f32 v25, v5;
	[tilespmem:s20+$0xFFFFFFC0] =	vst v27;
	v27 =	vadd.f32 v32, v36;
	v32 =	vmul.f32 v24, v20;
	v36 =	vld [tilespmem:s20+$0x0]  }
0x7a: {  	[tilespmem:s20+$0xFFFFFFD0] =	vst v30;
	v28 =	vadd.f32 v35, v28;
	v30 =	vadd.f32 v33, v34;
	v33 =	vmul.f32 v26, v13  }
0x7b: {  	v35 =	vmul.f32 v25, v6;
	v27 =	vadd.f32 v27, v29;
	v29 =	vmul.f32 v24, v21;
	v34 =	vld [tilespmem:s20+$0x10]  }
0x7c: {  	[tilespmem:s20+$0xFFFFFFE0] =	vst v28;
	v28 =	vadd.f32 v30, v32;
	v30 =	vadd.f32 v33, v37;
	v32 =	vmul.f32 v26, v14  }
0x7d: {  	v25 =	vmul.f32 v25, v7;
	v27 =	vadd.f32 v31, v27;
	v31 =	vmul.f32 v24, v22  }
0x7e: {  	v26 =	vmul.f32 v26, v15;
	v28 =	vadd.f32 v36, v28;
	v29 =	vadd.f32 v30, v29;
	v30 =	vld [tilespmem:s20+$0x20]  }
0x7f: {  	v24 =	vmul.f32 v24, v23;
	[tilespmem:s20+$0xFFFFFFF0] =	vst v27;
	v27 =	vadd.f32 v32, v35;
	v32 =	vld [tilespmem:s20+$0x30]  }
0x80: {  	v25 =	vadd.f32 v26, v25;
	[tilespmem:s20+$0x0] =	vst v28;
	v28 =	vadd.f32 v34, v29  }
0x81: {  	v26 =	vadd.f32 v27, v31  }
.Ltmp0:
0x82: {  	v24 =	vadd.f32 v25, v24;
	[tilespmem:s20+$0x10] =	vst v28;
	(pc) =	sbr.rel @p0 .LBB2_3-.Ltmp0, $4  }
0x83: {  	v25 =	vadd.f32 v30, v26  }
0x84: {  	v24 =	vadd.f32 v32, v24  }
0x85: {  	[tilespmem:s20+$0x20] =	vst v25  }
0x86: {  	s22 =	sshra.s32 s21, $0x2;
	s21 =	sadd.s32 $0xC, s21;
	[tilespmem:s20+$0x30] =	vst v24  }
0x87: {  	v24 =	vld [tilespmem:s22+$0x100];
	_ =	sdelay $0x4  }
0x88: {  	v25 =	vbroadcast v24, $0x0  }
0x89: {  	v26 =	vbroadcast v24, $0x1  }
0x8a: {  	v24 =	vbroadcast v24, $0x2;
	v27 =	vmul.f32 v25, v0  }
0x8b: {  	v28 =	vmul.f32 v26, v8;
	v30 =	vmul.f32 v25, v1  }
0x8c: {  	v31 =	vmul.f32 v26, v9;
	v41 =	vmul.f32 v24, v16  }
0x8d: {  	v32 =	vmul.f32 v24, v17;
	v42 =	vmul.f32 v25, v2  }
0x8e: {  	v34 =	vmul.f32 v26, v10;
	v43 =	vmul.f32 v24, v18  }
0x8f: {  	v36 =	vmul.f32 v25, v3;
	v44 =	vmul.f32 v26, v11  }
0x90: {  	v45 =	vmul.f32 v24, v19;
	v46 =	vmul.f32 v25, v4  }
0x91: {  	v47 =	vmul.f32 v26, v12;
	v37 =	vmul.f32 v25, v5  }
0x92: {  	v51 =	vmul.f32 v26, v13;
	v39 =	vmul.f32 v25, v6  }
0x93: {  	s20 =	sadd.s32 $0x80, s20;
	v53 =	vmul.f32 v26, v14;
	v25 =	vmul.f32 v25, v7  }
0x94: {  	v29 =	vld [tilespmem:s20+$0xFFFFFFC0];
	v26 =	vmul.f32 v26, v15;
	v27 =	vadd.f32 v28, v27;
	v30 =	vadd.f32 v31, v30  }
0x95: {  	v33 =	vld [tilespmem:s20+$0xFFFFFFD0];
	v49 =	vmul.f32 v24, v20;
	v31 =	vadd.f32 v34, v42;
	v57 =	vadd.f32 v53, v39  }
0x96: {  	v35 =	vld [tilespmem:s20+$0xFFFFFFE0];
	v52 =	vmul.f32 v24, v21;
	v25 =	vadd.f32 v26, v25;
	v27 =	vadd.f32 v27, v41  }
0x97: {  	v54 =	vld [tilespmem:s20+$0x20];
	v56 =	vmul.f32 v24, v22;
	v30 =	vadd.f32 v30, v32;
	v28 =	vadd.f32 v31, v43  }
0x98: {  	v58 =	vld [tilespmem:s20+$0x30];
	v24 =	vmul.f32 v24, v23;
	v32 =	vadd.f32 v44, v36;
	v31 =	vadd.f32 v47, v46  }
0x99: {  	v48 =	vld [tilespmem:s20+$0xFFFFFFF0];
	v61 =	vadd.f32 v57, v56;
	v27 =	vadd.f32 v27, v29  }
0x9a: {  	v50 =	vld [tilespmem:s20+$0x0];
	v24 =	vadd.f32 v25, v24;
	v30 =	vadd.f32 v30, v33  }
0x9b: {  	v38 =	vld [tilespmem:s20+$0x10];
	v28 =	vadd.f32 v35, v28;
	v29 =	vadd.f32 v32, v45;
	[tilespmem:s20+$0xFFFFFFC0] =	vst v27  }
0x9c: {  	v35 =	vadd.f32 v51, v37;
	v63 =	vadd.f32 v54, v61;
	[tilespmem:s20+$0xFFFFFFD0] =	vst v30  }
0x9d: {  	v31 =	vadd.f32 v31, v49;
	v24 =	vadd.f32 v58, v24;
	[tilespmem:s20+$0xFFFFFFE0] =	vst v28  }
0x9e: {  	v55 =	vadd.f32 v48, v29;
	v59 =	vadd.f32 v35, v52;
	[tilespmem:s20+$0x20] =	vst v63  }
0x9f: {  	v60 =	vadd.f32 v50, v31;
	[tilespmem:s20+$0x30] =	vst v24  }
0xa0: {  	s18 =	sadd.s32 $0x1, s18;
	[tilespmem:s20+$0xFFFFFFF0] =	vst v55;
	v62 =	vadd.f32 v38, v59  }
0xa1: {  	s19 =	sshll.u32 s19, $0x4;
	p0 =	sne.s32 s18, $0x32;
	[tilespmem:s20+$0x0] =	vst v60  }
.Ltmp1:
0xa2: {  	s19 =	sadd.s32 s2, s19;
	[tilespmem:s20+$0x10] =	vst v62;
	(pc) =	sbr.rel @p0 .LBB2_2-.Ltmp1, $4  }
0xa3: {  	[hbm4b:s19+s3] =	stream.linear.scatter [tilespmem:s15], [sflag:$0x2], $0x4000, $0x38;
	[tilespmem:$0x4480] =	vst v63  }
0xa4: {  	_ =	swait.ge [sflag:s12], $0x4000  }
0xa5: {  	[sflag:s12] =	ssyncset.done $0x0  }
0xa6: {  	[sflag:s12] =	ssyncadd.s32 $0xFFFFC000  }
0xa7: {  	s17 =	sadd.s32 $0x1, s17  }
0xa8: {  	p0 =	sne.s32 s17, s10  }
.Ltmp2:
0xa9: {  	_ = 	snop;
	(pc) =	sbr.rel @p0 .LBB2_1-.Ltmp2, $1  }
0xaa: {  	_ =	sdelay $0x3  }
0xab: {  	_ =	sfence.sel $0x180000  }
0xac: {  	[bflag:$0x0] =	sbarrier.arrive $0xFFFF  }
0xad: {  	p0 =	sne.s32 s4, $0x0;
	_ =	strace $0x90000047  }
0xae: {  	s0 =	sadd.s32 @!p0 $0x100000, s0;
	[bflag:$0x2] =	sbarrier.arrive $0xFFFF  }
0xaf: {  	[sflag:s0] =	ssyncadd.tile.s32 @!p0 $0x1;
	_ =	shalt  }
.Lfunc_end2:
_tile_overlayer_lowered:
.L_overlay_start_2:
0xb0: {  	(tag) =	ssettag $0x2  }
0xb1: {  	s0 =	rddreg [dreg:$0x0];
	s2 =	stileid.u32  }
0xb2: {  	s1 =	rddreg [dreg:$0x1];
	p0 =	sne.s32 s2, $0x0  }
0xb3: {  	s3 =	rddreg [dreg:$0x2];
	[bflag:$0x3] =	sbarrier.arrive $0xFFFF;
	s2 =	simm.s32 @!p0 $0x1C02  }
0xb4: {  	[timem:s3], [sflag:s2] =	dma.local @!p0 [hbm:s0], s1  }
0xb5: {  	s0 =	simm.s32 @!p0 $0x2  }
0xb6: {  	_ =	swait.ge @!p0 [sflag:s0], s1  }
0xb7: {  	s1 =	ssub.s32 @!p0 $0x0, s1;
	[sflag:s0] =	ssyncset.done @!p0 $0x0  }
0xb8: {  	[sflag:s0] =	ssyncadd.s32 @!p0 s1  }
0xb9: {  	[bflag:$0x3] =	sbarrier.arrive $0xFFFF  }
0xba: {  	_ =	shalt  }

</sc_bundles>
